<compile_context>
chip_gen: v7x
topology: tpu7x:2x2x1
jax: 0.10.2.dev20260603
libtpu: 0.0.44.dev20260713+nightly
codegen_flags: <defaults>
</compile_context>

<pallas_src>
import functools

import jax
import jax.numpy as jnp
from jax import lax
from jax.experimental import pallas as pl
from jax.experimental.pallas import tpu as pltpu
from jax.experimental.pallas import tpu_sc as plsc

N, D, H, C, E = 10000, 128, 128, 64, 320000

NC, NS = 2, 16
NW = NC * NS
NP = 10112
HH = H // 2
CH = 128
NBUF = 2
CPT = 160
EPT = CPT * CH
EP = NS * EPT
HID = 40
RPT = NP // NS

_mesh = plsc.VectorSubcoreMesh(
    core_axis_name="c", subcore_axis_name="s", num_cores=NC, num_subcores=NS
)


@functools.partial(
    pl.kernel,
    out_type=jax.ShapeDtypeStruct((NW, NP), jnp.float32),
    mesh=_mesh,
    scratch_types=[
        pltpu.VMEM((EP // NW,), jnp.int32),
        pltpu.VMEM((NP,), jnp.float32),
    ],
    compiler_params=pltpu.CompilerParams(needs_layout_passes=False),
)
def _deg_kernel(dst_hbm, out_hbm, dst_v, deg_v):
    c = lax.axis_index("c")
    s = lax.axis_index("s")
    wid = s * NC + c
    pltpu.sync_copy(dst_hbm.at[wid], dst_v)

    zeros16 = jnp.zeros((16,), jnp.float32)

    def zero_body(i, carry):
        deg_v[pl.ds(i * 16, 16)] = zeros16
        return carry

    lax.fori_loop(0, NP // 16, zero_body, 0)

    ones16 = jnp.ones((16,), jnp.float32)

    def scat_body(i, carry):
        idx = dst_v[pl.ds(i * 16, 16)]
        plsc.addupdate_scatter(deg_v, [idx], ones16)
        return carry

    lax.fori_loop(0, EP // NW // 16, scat_body, 0)
    pltpu.sync_copy(deg_v, out_hbm.at[wid])


@functools.partial(
    pl.kernel,
    out_type=jax.ShapeDtypeStruct((NC, NP, H), jnp.float32),
    mesh=_mesh,
    scratch_types=[
        pltpu.VMEM((HID, CH), jnp.int32),
        pltpu.VMEM((HID, CH), jnp.int32),
        pltpu.VMEM((NBUF, CH, H), jnp.float32),
        pltpu.VMEM_SHARED((NP, H), jnp.float32),
        [pltpu.SemaphoreType.DMA] * NBUF,
    ],
)
def _agg_kernel(y_hbm, src_hbm, dst_hbm, zeros_hbm, out_hbm,
                src_v, dst_v, rows_v, accum, sems):
    c = lax.axis_index("c")
    s = lax.axis_index("s")
    wid = s * NC + c
    rows = pl.ds(s * RPT, RPT)
    pltpu.sync_copy(zeros_hbm.at[rows], accum.at[rows])
    plsc.subcore_barrier()

    for part in range(80 // HID):
        pltpu.sync_copy(src_hbm.at[wid, pl.ds(part * HID, HID)], src_v)
        pltpu.sync_copy(dst_hbm.at[wid, pl.ds(part * HID, HID)], dst_v)

        for b in range(NBUF):
            pltpu.async_copy(y_hbm.at[src_v.at[b]], rows_v.at[b], sems[b])

        def body(t, carry):
            for b in range(NBUF):
                j = NBUF * t + b
                pltpu.make_async_copy(y_hbm.at[src_v.at[j]], rows_v.at[b],
                                      sems[b]).wait()
                pltpu.sync_copy(rows_v.at[b], accum.at[dst_v.at[j]], add=True)

                @pl.when(j + NBUF < HID)
                def _():
                    pltpu.async_copy(y_hbm.at[src_v.at[j + NBUF]],
                                     rows_v.at[b], sems[b])

            return carry

        lax.fori_loop(0, HID // NBUF, body, 0)

    plsc.subcore_barrier()
    pltpu.sync_copy(accum.at[rows], out_hbm.at[c, rows])


def _dinv_body(parts_ref, o_ref):
    deg = 1.0 + jnp.sum(parts_ref[...], axis=0)
    o_ref[...] = lax.rsqrt(deg)


_dinv_call = pl.pallas_call(
    _dinv_body,
    out_shape=jax.ShapeDtypeStruct((NP,), jnp.float32),
)

_BR = 1264
_GRID = NP // _BR


def _dot(a, b):
    return jnp.dot(a, b, preferred_element_type=jnp.float32,
                   precision=lax.Precision.HIGHEST)


def _y1_body(x_ref, dinv_ref, w_ref, o_ref):
    o_ref[...] = _dot(x_ref[...] * dinv_ref[...], w_ref[...])


_y1_call = pl.pallas_call(
    _y1_body,
    grid=(_GRID,),
    in_specs=[
        pl.BlockSpec((_BR, D), lambda j: (j, 0)),
        pl.BlockSpec((_BR, 1), lambda j: (j, 0)),
        pl.BlockSpec((D, H), lambda j: (0, 0)),
    ],
    out_specs=pl.BlockSpec((_BR, H), lambda j: (j, 0)),
    out_shape=jax.ShapeDtypeStruct((NP, H), jnp.float32),
)


def _hy2_body(p_ref, y1_ref, dinv_ref, b1_ref, w2_ref, o_ref):
    dv = dinv_ref[...]
    h = jnp.maximum(dv * (p_ref[0] + p_ref[1] + y1_ref[...]) + b1_ref[...],
                    0.0)
    o_ref[...] = _dot(h * dv, w2_ref[...])


_hy2_call = pl.pallas_call(
    _hy2_body,
    grid=(_GRID,),
    in_specs=[
        pl.BlockSpec((NC, _BR, H), lambda j: (0, j, 0)),
        pl.BlockSpec((_BR, H), lambda j: (j, 0)),
        pl.BlockSpec((_BR, 1), lambda j: (j, 0)),
        pl.BlockSpec((1, H), lambda j: (0, 0)),
        pl.BlockSpec((H, H), lambda j: (0, 0)),
    ],
    out_specs=pl.BlockSpec((_BR, H), lambda j: (j, 0)),
    out_shape=jax.ShapeDtypeStruct((NP, H), jnp.float32),
)


def _out_body(p_ref, y2_ref, dinv_ref, b2_ref, wfc_ref, bfc_ref, o_ref):
    dv = dinv_ref[...]
    h = jnp.maximum(dv * (p_ref[0] + p_ref[1] + y2_ref[...]) + b2_ref[...],
                    0.0)
    logits = _dot(h, wfc_ref[...]) + bfc_ref[...]
    m = jnp.max(logits, axis=1, keepdims=True)
    ex = jnp.exp(logits - m)
    lse = jnp.log(jnp.sum(ex, axis=1, keepdims=True)) + m
    o_ref[...] = logits - lse


_out_call = pl.pallas_call(
    _out_body,
    grid=(_GRID,),
    in_specs=[
        pl.BlockSpec((NC, _BR, H), lambda j: (0, j, 0)),
        pl.BlockSpec((_BR, H), lambda j: (j, 0)),
        pl.BlockSpec((_BR, 1), lambda j: (j, 0)),
        pl.BlockSpec((1, H), lambda j: (0, 0)),
        pl.BlockSpec((H, C), lambda j: (0, 0)),
        pl.BlockSpec((1, C), lambda j: (0, 0)),
    ],
    out_specs=pl.BlockSpec((_BR, C), lambda j: (j, 0)),
    out_shape=jax.ShapeDtypeStruct((NP, C), jnp.float32),
)


def kernel(x, edge_index, W1, b1, W2, b2, Wfc, bfc):
    x_pad = jnp.pad(x, ((0, NP - N), (0, 0)))
    src = jnp.pad(edge_index[0], (0, EP - E), constant_values=N)
    dst = jnp.pad(edge_index[1], (0, EP - E), constant_values=N)
    src3 = src.reshape(NW, 80, CH)
    dst3 = dst.reshape(NW, 80, CH)
    dst2 = dst.reshape(NW, EP // NW)
    zeros_np = jnp.zeros((NP, H), jnp.float32)

    deg_parts = _deg_kernel(dst2)
    dinv = _dinv_call(deg_parts)
    dinv_col = dinv.reshape(NP, 1)

    y1 = _y1_call(x_pad, dinv_col, W1)
    p1 = _agg_kernel(y1, src3, dst3, zeros_np)
    y2 = _hy2_call(p1, y1, dinv_col, b1.reshape(1, H), W2)
    p2 = _agg_kernel(y2, src3, dst3, zeros_np)
    out = _out_call(p2, y2, dinv_col, b2.reshape(1, H), Wfc, bfc.reshape(1, C))
    return out[:N]

# --- scband reference (transcript-rebuilt; emitter-appended) ---
"""Pipeline reference for scband-gcnmodel-7481833029774 (READ-ONLY COPY).

The authoritative reference and input builder live on the scoring server;
editing this copy changes nothing except your own understanding.
"""

import jax, jax.numpy as jnp
import numpy as np

N, D, H, C, E = 10000, 128, 128, 64, 320000


def gcn_conv(x, edge_index, W, b):
    # Faithful PyG GCNConv: add self-loops, symmetric degree normalization,
    # linear transform, scatter-add aggregation to dst nodes, plus bias.
    n = x.shape[0]
    loop = jnp.arange(n, dtype=edge_index.dtype)
    src = jnp.concatenate([edge_index[0], loop])
    dst = jnp.concatenate([edge_index[1], loop])
    deg = jnp.zeros((n,), dtype=x.dtype).at[dst].add(1.0)
    dinv = jnp.where(deg > 0, 1.0 / jnp.sqrt(deg), 0.0)
    norm = dinv[src] * dinv[dst]
    xw = x @ W
    msgs = xw[src] * norm[:, None]
    out = jnp.zeros((n, W.shape[1]), dtype=x.dtype).at[dst].add(msgs)
    return out + b


def setup_inputs(seed: int = 0):
    key = jax.random.key(seed)
    ks = jax.random.split(key, 8)
    x = jax.random.normal(ks[0], (N, D), dtype=jnp.float32)
    edge_index = jax.random.randint(ks[1], (2, E), 0, N, dtype=jnp.int32)
    W1 = jax.random.normal(ks[2], (D, H), dtype=jnp.float32) * (1.0 / np.sqrt(D))
    b1 = jnp.zeros((H,), dtype=jnp.float32)
    W2 = jax.random.normal(ks[3], (H, H), dtype=jnp.float32) * (1.0 / np.sqrt(H))
    b2 = jnp.zeros((H,), dtype=jnp.float32)
    Wfc = jax.random.normal(ks[4], (H, C), dtype=jnp.float32) * (1.0 / np.sqrt(H))
    bfc = jnp.zeros((C,), dtype=jnp.float32)
    return {"x": x, "edge_index": edge_index, "W1": W1, "b1": b1, "W2": W2, "b2": b2, "Wfc": Wfc, "bfc": bfc}


def reference(x, edge_index, W1, b1, W2, b2, Wfc, bfc):
    # dropout is identity in eval mode (training=False)
    h = jax.nn.relu(gcn_conv(x, edge_index, W1, b1))
    h = jax.nn.relu(gcn_conv(h, edge_index, W2, b2))
    logits = h @ Wfc + bfc
    return jax.nn.log_softmax(logits, axis=1)

if __name__ == "__main__":
    import jax
    _d = setup_inputs()
    print(jax.jit(kernel)(*tuple(_d.values())))

</pallas_src>

<mosaic_0001>
#map = affine_map<(d0, d1) -> (0, 0)>
#map1 = affine_map<(d0, d1) -> (0, 0, 0)>
module attributes {stable_mosaic.version = 14 : i64} {
  func.func @_agg_kernel(%arg0: i32, %arg1: i32, %arg2: memref<10112x128xf32, #tpu.memory_space<hbm>>, %arg3: memref<32x80x128xi32, #tpu.memory_space<hbm>>, %arg4: memref<32x80x128xi32, #tpu.memory_space<hbm>>, %arg5: memref<10112x128xf32, #tpu.memory_space<hbm>>, %arg6: memref<2x10112x128xf32, #tpu.memory_space<hbm>>, %arg7: memref<40x128xi32, #tpu.memory_space<vmem>>, %arg8: memref<40x128xi32, #tpu.memory_space<vmem>>, %arg9: memref<2x128x128xf32, #tpu.memory_space<vmem>>, %arg10: memref<10112x128xf32, #tpu.memory_space<vmem_shared>>, %arg11: memref<!tpu.dma_semaphore, #tpu.memory_space<semaphore_mem>>, %arg12: memref<!tpu.dma_semaphore, #tpu.memory_space<semaphore_mem>>) attributes {dimension_semantics = [#tpu.dimension_semantics<core_parallel>, #tpu.dimension_semantics<subcore_parallel>], iteration_bounds = array<i64: 2, 16>, scalar_prefetch = 0 : i64, scratch_operands = 6 : i64, tpu.core_type = #tpu.core_type<sc_vector_subcore>, window_params = [{transform_indices = #map}, {transform_indices = #map1}, {transform_indices = #map1}, {transform_indices = #map}, {transform_indices = #map1}]} {
    %mul3A = arith.constant 2 : i32
    %mul3A_0 = arith.muli %arg1, %mul3A : i32
    %add3A = arith.addi %mul3A_0, %arg0 : i32
    %mul3A_1 = arith.constant 632 : i32
    %mul3A_2 = arith.muli %arg1, %mul3A_1 : i32
    "tpu.region"() ({
      %run_scoped3A = tpu.sem_alloc : memref<!tpu.dma_semaphore, #tpu.memory_space<semaphore_mem>>
      %dma_start3A_62 = arith.constant 0 : i32
      %dma_start3A_63 = tpu.memref_slice %arg10[%mul3A_2, %dma_start3A_62] : memref<10112x128xf32, #tpu.memory_space<vmem_shared>> -> memref<632x128xf32, #tpu.memory_space<vmem_shared>>
      %dma_start3A_64 = arith.constant 0 : i32
      %dma_start3A_65 = tpu.memref_slice %arg5[%mul3A_2, %dma_start3A_64] : memref<10112x128xf32, #tpu.memory_space<hbm>> -> memref<632x128xf32, #tpu.memory_space<hbm>>
      tpu.enqueue_dma source(%dma_start3A_65 : memref<632x128xf32, #tpu.memory_space<hbm>>) target(%dma_start3A_63 : memref<632x128xf32, #tpu.memory_space<vmem_shared>>) target_semaphore(%run_scoped3A : memref<!tpu.dma_semaphore, #tpu.memory_space<semaphore_mem>>)
      %dma_wait3A = arith.constant 0 : i32
      %dma_wait3A_66 = tpu.memref_slice %arg10[%mul3A_2, %dma_wait3A] : memref<10112x128xf32, #tpu.memory_space<vmem_shared>> -> memref<632x128xf32, #tpu.memory_space<vmem_shared>>
      %dma_wait3A_67 = arith.constant 0 : i32
      %dma_wait3A_68 = tpu.memref_slice %arg5[%mul3A_2, %dma_wait3A_67] : memref<10112x128xf32, #tpu.memory_space<hbm>> -> memref<632x128xf32, #tpu.memory_space<hbm>>
      tpu.wait_dma2 semaphore(%run_scoped3A : memref<!tpu.dma_semaphore, #tpu.memory_space<semaphore_mem>>) src(%dma_wait3A_68 : memref<632x128xf32, #tpu.memory_space<hbm>>) dst(%dma_wait3A_66 : memref<632x128xf32, #tpu.memory_space<vmem_shared>>)
      tpu.yield
    }) : () -> ()
    %barrier3A = arith.constant 0 : index
    tpu.barrier barrier_id(%barrier3A)
    "tpu.region"() ({
      %run_scoped3A = tpu.sem_alloc : memref<!tpu.dma_semaphore, #tpu.memory_space<semaphore_mem>>
      %dma_start3A_62 = arith.constant 0 : i32
      %dma_start3A_63 = arith.constant 0 : i32
      %dma_start3A_64 = tpu.memref_slice %arg3[%add3A, %dma_start3A_62, %dma_start3A_63] : memref<32x80x128xi32, #tpu.memory_space<hbm>> -> memref<1x40x128xi32, #tpu.memory_space<hbm>>
      %dma_start3A_65 = tpu.memref_squeeze %dma_start3A_64 : memref<1x40x128xi32, #tpu.memory_space<hbm>> -> memref<40x128xi32, #tpu.memory_space<hbm>>
      %dma_start3A_66 = arith.constant 0 : i32
      %dma_start3A_67 = arith.constant 0 : i32
      %dma_start3A_68 = tpu.memref_slice %arg3[%add3A, %dma_start3A_66, %dma_start3A_67] : memref<32x80x128xi32, #tpu.memory_space<hbm>> -> memref<1x40x128xi32, #tpu.memory_space<hbm>>
      %dma_start3A_69 = tpu.memref_squeeze %dma_start3A_68 : memref<1x40x128xi32, #tpu.memory_space<hbm>> -> memref<40x128xi32, #tpu.memory_space<hbm>>
      tpu.enqueue_dma source(%dma_start3A_69 : memref<40x128xi32, #tpu.memory_space<hbm>>) target(%arg7 : memref<40x128xi32, #tpu.memory_space<vmem>>) target_semaphore(%run_scoped3A : memref<!tpu.dma_semaphore, #tpu.memory_space<semaphore_mem>>)
      %dma_wait3A = arith.constant 0 : i32
      %dma_wait3A_70 = arith.constant 0 : i32
      %dma_wait3A_71 = tpu.memref_slice %arg3[%add3A, %dma_wait3A, %dma_wait3A_70] : memref<32x80x128xi32, #tpu.memory_space<hbm>> -> memref<1x40x128xi32, #tpu.memory_space<hbm>>
      %dma_wait3A_72 = tpu.memref_squeeze %dma_wait3A_71 : memref<1x40x128xi32, #tpu.memory_space<hbm>> -> memref<40x128xi32, #tpu.memory_space<hbm>>
      %dma_wait3A_73 = arith.constant 0 : i32
      %dma_wait3A_74 = arith.constant 0 : i32
      %dma_wait3A_75 = tpu.memref_slice %arg3[%add3A, %dma_wait3A_73, %dma_wait3A_74] : memref<32x80x128xi32, #tpu.memory_space<hbm>> -> memref<1x40x128xi32, #tpu.memory_space<hbm>>
      %dma_wait3A_76 = tpu.memref_squeeze %dma_wait3A_75 : memref<1x40x128xi32, #tpu.memory_space<hbm>> -> memref<40x128xi32, #tpu.memory_space<hbm>>
      tpu.wait_dma2 semaphore(%run_scoped3A : memref<!tpu.dma_semaphore, #tpu.memory_space<semaphore_mem>>) src(%dma_wait3A_76 : memref<40x128xi32, #tpu.memory_space<hbm>>) dst(%arg7 : memref<40x128xi32, #tpu.memory_space<vmem>>)
      tpu.yield
    }) : () -> ()
    "tpu.region"() ({
      %run_scoped3A = tpu.sem_alloc : memref<!tpu.dma_semaphore, #tpu.memory_space<semaphore_mem>>
      %dma_start3A_62 = arith.constant 0 : i32
      %dma_start3A_63 = arith.constant 0 : i32
      %dma_start3A_64 = tpu.memref_slice %arg4[%add3A, %dma_start3A_62, %dma_start3A_63] : memref<32x80x128xi32, #tpu.memory_space<hbm>> -> memref<1x40x128xi32, #tpu.memory_space<hbm>>
      %dma_start3A_65 = tpu.memref_squeeze %dma_start3A_64 : memref<1x40x128xi32, #tpu.memory_space<hbm>> -> memref<40x128xi32, #tpu.memory_space<hbm>>
      %dma_start3A_66 = arith.constant 0 : i32
      %dma_start3A_67 = arith.constant 0 : i32
      %dma_start3A_68 = tpu.memref_slice %arg4[%add3A, %dma_start3A_66, %dma_start3A_67] : memref<32x80x128xi32, #tpu.memory_space<hbm>> -> memref<1x40x128xi32, #tpu.memory_space<hbm>>
      %dma_start3A_69 = tpu.memref_squeeze %dma_start3A_68 : memref<1x40x128xi32, #tpu.memory_space<hbm>> -> memref<40x128xi32, #tpu.memory_space<hbm>>
      tpu.enqueue_dma source(%dma_start3A_69 : memref<40x128xi32, #tpu.memory_space<hbm>>) target(%arg8 : memref<40x128xi32, #tpu.memory_space<vmem>>) target_semaphore(%run_scoped3A : memref<!tpu.dma_semaphore, #tpu.memory_space<semaphore_mem>>)
      %dma_wait3A = arith.constant 0 : i32
      %dma_wait3A_70 = arith.constant 0 : i32
      %dma_wait3A_71 = tpu.memref_slice %arg4[%add3A, %dma_wait3A, %dma_wait3A_70] : memref<32x80x128xi32, #tpu.memory_space<hbm>> -> memref<1x40x128xi32, #tpu.memory_space<hbm>>
      %dma_wait3A_72 = tpu.memref_squeeze %dma_wait3A_71 : memref<1x40x128xi32, #tpu.memory_space<hbm>> -> memref<40x128xi32, #tpu.memory_space<hbm>>
      %dma_wait3A_73 = arith.constant 0 : i32
      %dma_wait3A_74 = arith.constant 0 : i32
      %dma_wait3A_75 = tpu.memref_slice %arg4[%add3A, %dma_wait3A_73, %dma_wait3A_74] : memref<32x80x128xi32, #tpu.memory_space<hbm>> -> memref<1x40x128xi32, #tpu.memory_space<hbm>>
      %dma_wait3A_76 = tpu.memref_squeeze %dma_wait3A_75 : memref<1x40x128xi32, #tpu.memory_space<hbm>> -> memref<40x128xi32, #tpu.memory_space<hbm>>
      tpu.wait_dma2 semaphore(%run_scoped3A : memref<!tpu.dma_semaphore, #tpu.memory_space<semaphore_mem>>) src(%dma_wait3A_76 : memref<40x128xi32, #tpu.memory_space<hbm>>) dst(%arg8 : memref<40x128xi32, #tpu.memory_space<vmem>>)
      tpu.yield
    }) : () -> ()
    %dma_start3A = arith.constant 0 : i32
    %dma_start3A_3 = arith.constant 0 : i32
    %dma_start3A_4 = arith.constant 0 : i32
    %dma_start3A_5 = arith.constant 0 : i32
    %dma_start3A_6 = tpu.memref_slice %arg9[%dma_start3A_3, %dma_start3A_4, %dma_start3A_5] : memref<2x128x128xf32, #tpu.memory_space<vmem>> -> memref<1x128x128xf32, #tpu.memory_space<vmem>>
    %dma_start3A_7 = tpu.memref_squeeze %dma_start3A_6 : memref<1x128x128xf32, #tpu.memory_space<vmem>> -> memref<128x128xf32, #tpu.memory_space<vmem>>
    %dma_start3A_8 = arith.constant 0 : i32
    %dma_start3A_9 = tpu.memref_slice %arg7[%dma_start3A, %dma_start3A_8] : memref<40x128xi32, #tpu.memory_space<vmem>> -> memref<1x128xi32, #tpu.memory_space<vmem>>
    %dma_start3A_10 = tpu.memref_squeeze %dma_start3A_9 : memref<1x128xi32, #tpu.memory_space<vmem>> -> memref<128xi32, #tpu.memory_space<vmem>>
    %dma_start3A_11 = arith.constant 0 : i32
    %dma_start3A_12 = arith.constant 0 : i32
    %dma_start3A_13 = tpu.memref_slice %arg2[%dma_start3A_11, %dma_start3A_12] : memref<10112x128xf32, #tpu.memory_space<hbm>> -> memref<10112x128xf32, #tpu.memory_space<hbm>>
    tpu.enqueue_indirect_dma source(%dma_start3A_13 : memref<10112x128xf32, #tpu.memory_space<hbm>>) target(%dma_start3A_7 : memref<128x128xf32, #tpu.memory_space<vmem>>) offsets(%dma_start3A_10 : memref<128xi32, #tpu.memory_space<vmem>>) semaphore(%arg11 : memref<!tpu.dma_semaphore, #tpu.memory_space<semaphore_mem>>)
    %dma_start3A_14 = arith.constant 1 : i32
    %dma_start3A_15 = arith.constant 1 : i32
    %dma_start3A_16 = arith.constant 0 : i32
    %dma_start3A_17 = arith.constant 0 : i32
    %dma_start3A_18 = tpu.memref_slice %arg9[%dma_start3A_15, %dma_start3A_16, %dma_start3A_17] : memref<2x128x128xf32, #tpu.memory_space<vmem>> -> memref<1x128x128xf32, #tpu.memory_space<vmem>>
    %dma_start3A_19 = tpu.memref_squeeze %dma_start3A_18 : memref<1x128x128xf32, #tpu.memory_space<vmem>> -> memref<128x128xf32, #tpu.memory_space<vmem>>
    %dma_start3A_20 = arith.constant 0 : i32
    %dma_start3A_21 = tpu.memref_slice %arg7[%dma_start3A_14, %dma_start3A_20] : memref<40x128xi32, #tpu.memory_space<vmem>> -> memref<1x128xi32, #tpu.memory_space<vmem>>
    %dma_start3A_22 = tpu.memref_squeeze %dma_start3A_21 : memref<1x128xi32, #tpu.memory_space<vmem>> -> memref<128xi32, #tpu.memory_space<vmem>>
    %dma_start3A_23 = arith.constant 0 : i32
    %dma_start3A_24 = arith.constant 0 : i32
    %dma_start3A_25 = tpu.memref_slice %arg2[%dma_start3A_23, %dma_start3A_24] : memref<10112x128xf32, #tpu.memory_space<hbm>> -> memref<10112x128xf32, #tpu.memory_space<hbm>>
    tpu.enqueue_indirect_dma source(%dma_start3A_25 : memref<10112x128xf32, #tpu.memory_space<hbm>>) target(%dma_start3A_19 : memref<128x128xf32, #tpu.memory_space<vmem>>) offsets(%dma_start3A_22 : memref<128xi32, #tpu.memory_space<vmem>>) semaphore(%arg12 : memref<!tpu.dma_semaphore, #tpu.memory_space<semaphore_mem>>)
    %scan3A = arith.constant 0 : i32
    %scan3A_26 = arith.constant 0 : i32
    %scan3A_27 = arith.constant 20 : i32
    %scan3A_28 = arith.addi %scan3A_26, %scan3A_27 : i32
    %scan3A_29 = arith.constant 1 : i32
    scf.for %scan3A_62 = %scan3A_26 to %scan3A_28 step %scan3A_29  : i32 {
      %mul3A_63 = arith.constant 2 : i32
      %mul3A_64 = arith.muli %mul3A_63, %scan3A_62 : i32
      %add3A_65 = arith.constant 0 : i32
      %add3A_66 = arith.addi %mul3A_64, %add3A_65 : i32
      %dma_wait3A = arith.constant 0 : i32
      %dma_wait3A_67 = arith.constant 0 : i32
      %dma_wait3A_68 = arith.constant 0 : i32
      %dma_wait3A_69 = tpu.memref_slice %arg9[%dma_wait3A, %dma_wait3A_67, %dma_wait3A_68] : memref<2x128x128xf32, #tpu.memory_space<vmem>> -> memref<1x128x128xf32, #tpu.memory_space<vmem>>
      %dma_wait3A_70 = tpu.memref_squeeze %dma_wait3A_69 : memref<1x128x128xf32, #tpu.memory_space<vmem>> -> memref<128x128xf32, #tpu.memory_space<vmem>>
      %dma_wait3A_71 = arith.constant 0 : i32
      %dma_wait3A_72 = tpu.memref_slice %arg7[%add3A_66, %dma_wait3A_71] : memref<40x128xi32, #tpu.memory_space<vmem>> -> memref<1x128xi32, #tpu.memory_space<vmem>>
      %dma_wait3A_73 = tpu.memref_squeeze %dma_wait3A_72 : memref<1x128xi32, #tpu.memory_space<vmem>> -> memref<128xi32, #tpu.memory_space<vmem>>
      %dma_wait3A_74 = arith.constant 0 : i32
      %dma_wait3A_75 = arith.constant 0 : i32
      %dma_wait3A_76 = tpu.memref_slice %arg2[%dma_wait3A_74, %dma_wait3A_75] : memref<10112x128xf32, #tpu.memory_space<hbm>> -> memref<10112x128xf32, #tpu.memory_space<hbm>>
      tpu.wait_indirect_dma semaphore(%arg11 : memref<!tpu.dma_semaphore, #tpu.memory_space<semaphore_mem>>) src(%dma_wait3A_76 : memref<10112x128xf32, #tpu.memory_space<hbm>>) dst(%dma_wait3A_70 : memref<128x128xf32, #tpu.memory_space<vmem>>)
      %run_scoped3A = arith.constant 0 : i32
      "tpu.region"() ({
        %run_scoped3A_104 = tpu.sem_alloc : memref<!tpu.dma_semaphore, #tpu.memory_space<semaphore_mem>>
        %dma_start3A_105 = arith.constant 0 : i32
        %dma_start3A_106 = arith.constant 0 : i32
        %dma_start3A_107 = tpu.memref_slice %arg9[%run_scoped3A, %dma_start3A_105, %dma_start3A_106] : memref<2x128x128xf32, #tpu.memory_space<vmem>> -> memref<1x128x128xf32, #tpu.memory_space<vmem>>
        %dma_start3A_108 = tpu.memref_squeeze %dma_start3A_107 : memref<1x128x128xf32, #tpu.memory_space<vmem>> -> memref<128x128xf32, #tpu.memory_space<vmem>>
        %dma_start3A_109 = arith.constant 0 : i32
        %dma_start3A_110 = tpu.memref_slice %arg8[%add3A_66, %dma_start3A_109] : memref<40x128xi32, #tpu.memory_space<vmem>> -> memref<1x128xi32, #tpu.memory_space<vmem>>
        %dma_start3A_111 = tpu.memref_squeeze %dma_start3A_110 : memref<1x128xi32, #tpu.memory_space<vmem>> -> memref<128xi32, #tpu.memory_space<vmem>>
        %dma_start3A_112 = arith.constant 0 : i32
        %dma_start3A_113 = arith.constant 0 : i32
        %dma_start3A_114 = tpu.memref_slice %arg10[%dma_start3A_112, %dma_start3A_113] : memref<10112x128xf32, #tpu.memory_space<vmem_shared>> -> memref<10112x128xf32, #tpu.memory_space<vmem_shared>>
        tpu.enqueue_indirect_dma source(%dma_start3A_108 : memref<128x128xf32, #tpu.memory_space<vmem>>) target(%dma_start3A_114 : memref<10112x128xf32, #tpu.memory_space<vmem_shared>>) offsets(%dma_start3A_111 : memref<128xi32, #tpu.memory_space<vmem>>) semaphore(%run_scoped3A_104 : memref<!tpu.dma_semaphore, #tpu.memory_space<semaphore_mem>>) {add = true}
        %dma_wait3A_115 = arith.constant 0 : i32
        %dma_wait3A_116 = arith.constant 0 : i32
        %dma_wait3A_117 = tpu.memref_slice %arg9[%run_scoped3A, %dma_wait3A_115, %dma_wait3A_116] : memref<2x128x128xf32, #tpu.memory_space<vmem>> -> memref<1x128x128xf32, #tpu.memory_space<vmem>>
        %dma_wait3A_118 = tpu.memref_squeeze %dma_wait3A_117 : memref<1x128x128xf32, #tpu.memory_space<vmem>> -> memref<128x128xf32, #tpu.memory_space<vmem>>
        %dma_wait3A_119 = arith.constant 0 : i32
        %dma_wait3A_120 = tpu.memref_slice %arg8[%add3A_66, %dma_wait3A_119] : memref<40x128xi32, #tpu.memory_space<vmem>> -> memref<1x128xi32, #tpu.memory_space<vmem>>
        %dma_wait3A_121 = tpu.memref_squeeze %dma_wait3A_120 : memref<1x128xi32, #tpu.memory_space<vmem>> -> memref<128xi32, #tpu.memory_space<vmem>>
        %dma_wait3A_122 = arith.constant 0 : i32
        %dma_wait3A_123 = arith.constant 0 : i32
        %dma_wait3A_124 = tpu.memref_slice %arg10[%dma_wait3A_122, %dma_wait3A_123] : memref<10112x128xf32, #tpu.memory_space<vmem_shared>> -> memref<10112x128xf32, #tpu.memory_space<vmem_shared>>
        tpu.wait_indirect_dma semaphore(%run_scoped3A_104 : memref<!tpu.dma_semaphore, #tpu.memory_space<semaphore_mem>>) src(%dma_wait3A_118 : memref<128x128xf32, #tpu.memory_space<vmem>>) dst(%dma_wait3A_124 : memref<10112x128xf32, #tpu.memory_space<vmem_shared>>)
        tpu.yield
      }) : () -> ()
      %add3A_77 = arith.constant 2 : i32
      %add3A_78 = arith.addi %add3A_66, %add3A_77 : i32
      %lt3A = arith.constant 40 : i32
      %lt3A_79 = arith.cmpi slt, %add3A_78, %lt3A : i32
      %convert_element_type3A = arith.extui %lt3A_79 : i1 to i32
      %cond3A = arith.constant 0 : i32
      %cond3A_80 = arith.cmpi ne, %convert_element_type3A, %cond3A : i32
      scf.if %cond3A_80 {
        %add3A_104 = arith.constant 2 : i32
        %add3A_105 = arith.addi %add3A_66, %add3A_104 : i32
        %dma_start3A_106 = arith.constant 0 : i32
        %dma_start3A_107 = arith.constant 0 : i32
        %dma_start3A_108 = arith.constant 0 : i32
        %dma_start3A_109 = tpu.memref_slice %arg9[%dma_start3A_106, %dma_start3A_107, %dma_start3A_108] : memref<2x128x128xf32, #tpu.memory_space<vmem>> -> memref<1x128x128xf32, #tpu.memory_space<vmem>>
        %dma_start3A_110 = tpu.memref_squeeze %dma_start3A_109 : memref<1x128x128xf32, #tpu.memory_space<vmem>> -> memref<128x128xf32, #tpu.memory_space<vmem>>
        %dma_start3A_111 = arith.constant 0 : i32
        %dma_start3A_112 = tpu.memref_slice %arg7[%add3A_105, %dma_start3A_111] : memref<40x128xi32, #tpu.memory_space<vmem>> -> memref<1x128xi32, #tpu.memory_space<vmem>>
        %dma_start3A_113 = tpu.memref_squeeze %dma_start3A_112 : memref<1x128xi32, #tpu.memory_space<vmem>> -> memref<128xi32, #tpu.memory_space<vmem>>
        %dma_start3A_114 = arith.constant 0 : i32
        %dma_start3A_115 = arith.constant 0 : i32
        %dma_start3A_116 = tpu.memref_slice %arg2[%dma_start3A_114, %dma_start3A_115] : memref<10112x128xf32, #tpu.memory_space<hbm>> -> memref<10112x128xf32, #tpu.memory_space<hbm>>
        tpu.enqueue_indirect_dma source(%dma_start3A_116 : memref<10112x128xf32, #tpu.memory_space<hbm>>) target(%dma_start3A_110 : memref<128x128xf32, #tpu.memory_space<vmem>>) offsets(%dma_start3A_113 : memref<128xi32, #tpu.memory_space<vmem>>) semaphore(%arg11 : memref<!tpu.dma_semaphore, #tpu.memory_space<semaphore_mem>>)
      } else {
      }
      %mul3A_81 = arith.constant 2 : i32
      %mul3A_82 = arith.muli %mul3A_81, %scan3A_62 : i32
      %add3A_83 = arith.constant 1 : i32
      %add3A_84 = arith.addi %mul3A_82, %add3A_83 : i32
      %dma_wait3A_85 = arith.constant 1 : i32
      %dma_wait3A_86 = arith.constant 0 : i32
      %dma_wait3A_87 = arith.constant 0 : i32
      %dma_wait3A_88 = tpu.memref_slice %arg9[%dma_wait3A_85, %dma_wait3A_86, %dma_wait3A_87] : memref<2x128x128xf32, #tpu.memory_space<vmem>> -> memref<1x128x128xf32, #tpu.memory_space<vmem>>
      %dma_wait3A_89 = tpu.memref_squeeze %dma_wait3A_88 : memref<1x128x128xf32, #tpu.memory_space<vmem>> -> memref<128x128xf32, #tpu.memory_space<vmem>>
      %dma_wait3A_90 = arith.constant 0 : i32
      %dma_wait3A_91 = tpu.memref_slice %arg7[%add3A_84, %dma_wait3A_90] : memref<40x128xi32, #tpu.memory_space<vmem>> -> memref<1x128xi32, #tpu.memory_space<vmem>>
      %dma_wait3A_92 = tpu.memref_squeeze %dma_wait3A_91 : memref<1x128xi32, #tpu.memory_space<vmem>> -> memref<128xi32, #tpu.memory_space<vmem>>
      %dma_wait3A_93 = arith.constant 0 : i32
      %dma_wait3A_94 = arith.constant 0 : i32
      %dma_wait3A_95 = tpu.memref_slice %arg2[%dma_wait3A_93, %dma_wait3A_94] : memref<10112x128xf32, #tpu.memory_space<hbm>> -> memref<10112x128xf32, #tpu.memory_space<hbm>>
      tpu.wait_indirect_dma semaphore(%arg12 : memref<!tpu.dma_semaphore, #tpu.memory_space<semaphore_mem>>) src(%dma_wait3A_95 : memref<10112x128xf32, #tpu.memory_space<hbm>>) dst(%dma_wait3A_89 : memref<128x128xf32, #tpu.memory_space<vmem>>)
      %run_scoped3A_96 = arith.constant 1 : i32
      "tpu.region"() ({
        %run_scoped3A_104 = tpu.sem_alloc : memref<!tpu.dma_semaphore, #tpu.memory_space<semaphore_mem>>
        %dma_start3A_105 = arith.constant 0 : i32
        %dma_start3A_106 = arith.constant 0 : i32
        %dma_start3A_107 = tpu.memref_slice %arg9[%run_scoped3A_96, %dma_start3A_105, %dma_start3A_106] : memref<2x128x128xf32, #tpu.memory_space<vmem>> -> memref<1x128x128xf32, #tpu.memory_space<vmem>>
        %dma_start3A_108 = tpu.memref_squeeze %dma_start3A_107 : memref<1x128x128xf32, #tpu.memory_space<vmem>> -> memref<128x128xf32, #tpu.memory_space<vmem>>
        %dma_start3A_109 = arith.constant 0 : i32
        %dma_start3A_110 = tpu.memref_slice %arg8[%add3A_84, %dma_start3A_109] : memref<40x128xi32, #tpu.memory_space<vmem>> -> memref<1x128xi32, #tpu.memory_space<vmem>>
        %dma_start3A_111 = tpu.memref_squeeze %dma_start3A_110 : memref<1x128xi32, #tpu.memory_space<vmem>> -> memref<128xi32, #tpu.memory_space<vmem>>
        %dma_start3A_112 = arith.constant 0 : i32
        %dma_start3A_113 = arith.constant 0 : i32
        %dma_start3A_114 = tpu.memref_slice %arg10[%dma_start3A_112, %dma_start3A_113] : memref<10112x128xf32, #tpu.memory_space<vmem_shared>> -> memref<10112x128xf32, #tpu.memory_space<vmem_shared>>
        tpu.enqueue_indirect_dma source(%dma_start3A_108 : memref<128x128xf32, #tpu.memory_space<vmem>>) target(%dma_start3A_114 : memref<10112x128xf32, #tpu.memory_space<vmem_shared>>) offsets(%dma_start3A_111 : memref<128xi32, #tpu.memory_space<vmem>>) semaphore(%run_scoped3A_104 : memref<!tpu.dma_semaphore, #tpu.memory_space<semaphore_mem>>) {add = true}
        %dma_wait3A_115 = arith.constant 0 : i32
        %dma_wait3A_116 = arith.constant 0 : i32
        %dma_wait3A_117 = tpu.memref_slice %arg9[%run_scoped3A_96, %dma_wait3A_115, %dma_wait3A_116] : memref<2x128x128xf32, #tpu.memory_space<vmem>> -> memref<1x128x128xf32, #tpu.memory_space<vmem>>
        %dma_wait3A_118 = tpu.memref_squeeze %dma_wait3A_117 : memref<1x128x128xf32, #tpu.memory_space<vmem>> -> memref<128x128xf32, #tpu.memory_space<vmem>>
        %dma_wait3A_119 = arith.constant 0 : i32
        %dma_wait3A_120 = tpu.memref_slice %arg8[%add3A_84, %dma_wait3A_119] : memref<40x128xi32, #tpu.memory_space<vmem>> -> memref<1x128xi32, #tpu.memory_space<vmem>>
        %dma_wait3A_121 = tpu.memref_squeeze %dma_wait3A_120 : memref<1x128xi32, #tpu.memory_space<vmem>> -> memref<128xi32, #tpu.memory_space<vmem>>
        %dma_wait3A_122 = arith.constant 0 : i32
        %dma_wait3A_123 = arith.constant 0 : i32
        %dma_wait3A_124 = tpu.memref_slice %arg10[%dma_wait3A_122, %dma_wait3A_123] : memref<10112x128xf32, #tpu.memory_space<vmem_shared>> -> memref<10112x128xf32, #tpu.memory_space<vmem_shared>>
        tpu.wait_indirect_dma semaphore(%run_scoped3A_104 : memref<!tpu.dma_semaphore, #tpu.memory_space<semaphore_mem>>) src(%dma_wait3A_118 : memref<128x128xf32, #tpu.memory_space<vmem>>) dst(%dma_wait3A_124 : memref<10112x128xf32, #tpu.memory_space<vmem_shared>>)
        tpu.yield
      }) : () -> ()
      %add3A_97 = arith.constant 2 : i32
      %add3A_98 = arith.addi %add3A_84, %add3A_97 : i32
      %lt3A_99 = arith.constant 40 : i32
      %lt3A_100 = arith.cmpi slt, %add3A_98, %lt3A_99 : i32
      %convert_element_type3A_101 = arith.extui %lt3A_100 : i1 to i32
      %cond3A_102 = arith.constant 0 : i32
      %cond3A_103 = arith.cmpi ne, %convert_element_type3A_101, %cond3A_102 : i32
      scf.if %cond3A_103 {
        %add3A_104 = arith.constant 2 : i32
        %add3A_105 = arith.addi %add3A_84, %add3A_104 : i32
        %dma_start3A_106 = arith.constant 1 : i32
        %dma_start3A_107 = arith.constant 0 : i32
        %dma_start3A_108 = arith.constant 0 : i32
        %dma_start3A_109 = tpu.memref_slice %arg9[%dma_start3A_106, %dma_start3A_107, %dma_start3A_108] : memref<2x128x128xf32, #tpu.memory_space<vmem>> -> memref<1x128x128xf32, #tpu.memory_space<vmem>>
        %dma_start3A_110 = tpu.memref_squeeze %dma_start3A_109 : memref<1x128x128xf32, #tpu.memory_space<vmem>> -> memref<128x128xf32, #tpu.memory_space<vmem>>
        %dma_start3A_111 = arith.constant 0 : i32
        %dma_start3A_112 = tpu.memref_slice %arg7[%add3A_105, %dma_start3A_111] : memref<40x128xi32, #tpu.memory_space<vmem>> -> memref<1x128xi32, #tpu.memory_space<vmem>>
        %dma_start3A_113 = tpu.memref_squeeze %dma_start3A_112 : memref<1x128xi32, #tpu.memory_space<vmem>> -> memref<128xi32, #tpu.memory_space<vmem>>
        %dma_start3A_114 = arith.constant 0 : i32
        %dma_start3A_115 = arith.constant 0 : i32
        %dma_start3A_116 = tpu.memref_slice %arg2[%dma_start3A_114, %dma_start3A_115] : memref<10112x128xf32, #tpu.memory_space<hbm>> -> memref<10112x128xf32, #tpu.memory_space<hbm>>
        tpu.enqueue_indirect_dma source(%dma_start3A_116 : memref<10112x128xf32, #tpu.memory_space<hbm>>) target(%dma_start3A_110 : memref<128x128xf32, #tpu.memory_space<vmem>>) offsets(%dma_start3A_113 : memref<128xi32, #tpu.memory_space<vmem>>) semaphore(%arg12 : memref<!tpu.dma_semaphore, #tpu.memory_space<semaphore_mem>>)
      } else {
      }
    }
    %scan3A_30 = arith.constant 20 : i32
    "tpu.region"() ({
      %run_scoped3A = tpu.sem_alloc : memref<!tpu.dma_semaphore, #tpu.memory_space<semaphore_mem>>
      %dma_start3A_62 = arith.constant 40 : i32
      %dma_start3A_63 = arith.constant 0 : i32
      %dma_start3A_64 = tpu.memref_slice %arg3[%add3A, %dma_start3A_62, %dma_start3A_63] : memref<32x80x128xi32, #tpu.memory_space<hbm>> -> memref<1x40x128xi32, #tpu.memory_space<hbm>>
      %dma_start3A_65 = tpu.memref_squeeze %dma_start3A_64 : memref<1x40x128xi32, #tpu.memory_space<hbm>> -> memref<40x128xi32, #tpu.memory_space<hbm>>
      %dma_start3A_66 = arith.constant 40 : i32
      %dma_start3A_67 = arith.constant 0 : i32
      %dma_start3A_68 = tpu.memref_slice %arg3[%add3A, %dma_start3A_66, %dma_start3A_67] : memref<32x80x128xi32, #tpu.memory_space<hbm>> -> memref<1x40x128xi32, #tpu.memory_space<hbm>>
      %dma_start3A_69 = tpu.memref_squeeze %dma_start3A_68 : memref<1x40x128xi32, #tpu.memory_space<hbm>> -> memref<40x128xi32, #tpu.memory_space<hbm>>
      tpu.enqueue_dma source(%dma_start3A_69 : memref<40x128xi32, #tpu.memory_space<hbm>>) target(%arg7 : memref<40x128xi32, #tpu.memory_space<vmem>>) target_semaphore(%run_scoped3A : memref<!tpu.dma_semaphore, #tpu.memory_space<semaphore_mem>>)
      %dma_wait3A = arith.constant 40 : i32
      %dma_wait3A_70 = arith.constant 0 : i32
      %dma_wait3A_71 = tpu.memref_slice %arg3[%add3A, %dma_wait3A, %dma_wait3A_70] : memref<32x80x128xi32, #tpu.memory_space<hbm>> -> memref<1x40x128xi32, #tpu.memory_space<hbm>>
      %dma_wait3A_72 = tpu.memref_squeeze %dma_wait3A_71 : memref<1x40x128xi32, #tpu.memory_space<hbm>> -> memref<40x128xi32, #tpu.memory_space<hbm>>
      %dma_wait3A_73 = arith.constant 40 : i32
      %dma_wait3A_74 = arith.constant 0 : i32
      %dma_wait3A_75 = tpu.memref_slice %arg3[%add3A, %dma_wait3A_73, %dma_wait3A_74] : memref<32x80x128xi32, #tpu.memory_space<hbm>> -> memref<1x40x128xi32, #tpu.memory_space<hbm>>
      %dma_wait3A_76 = tpu.memref_squeeze %dma_wait3A_75 : memref<1x40x128xi32, #tpu.memory_space<hbm>> -> memref<40x128xi32, #tpu.memory_space<hbm>>
      tpu.wait_dma2 semaphore(%run_scoped3A : memref<!tpu.dma_semaphore, #tpu.memory_space<semaphore_mem>>) src(%dma_wait3A_76 : memref<40x128xi32, #tpu.memory_space<hbm>>) dst(%arg7 : memref<40x128xi32, #tpu.memory_space<vmem>>)
      tpu.yield
    }) : () -> ()
    "tpu.region"() ({
      %run_scoped3A = tpu.sem_alloc : memref<!tpu.dma_semaphore, #tpu.memory_space<semaphore_mem>>
      %dma_start3A_62 = arith.constant 40 : i32
      %dma_start3A_63 = arith.constant 0 : i32
      %dma_start3A_64 = tpu.memref_slice %arg4[%add3A, %dma_start3A_62, %dma_start3A_63] : memref<32x80x128xi32, #tpu.memory_space<hbm>> -> memref<1x40x128xi32, #tpu.memory_space<hbm>>
      %dma_start3A_65 = tpu.memref_squeeze %dma_start3A_64 : memref<1x40x128xi32, #tpu.memory_space<hbm>> -> memref<40x128xi32, #tpu.memory_space<hbm>>
      %dma_start3A_66 = arith.constant 40 : i32
      %dma_start3A_67 = arith.constant 0 : i32
      %dma_start3A_68 = tpu.memref_slice %arg4[%add3A, %dma_start3A_66, %dma_start3A_67] : memref<32x80x128xi32, #tpu.memory_space<hbm>> -> memref<1x40x128xi32, #tpu.memory_space<hbm>>
      %dma_start3A_69 = tpu.memref_squeeze %dma_start3A_68 : memref<1x40x128xi32, #tpu.memory_space<hbm>> -> memref<40x128xi32, #tpu.memory_space<hbm>>
      tpu.enqueue_dma source(%dma_start3A_69 : memref<40x128xi32, #tpu.memory_space<hbm>>) target(%arg8 : memref<40x128xi32, #tpu.memory_space<vmem>>) target_semaphore(%run_scoped3A : memref<!tpu.dma_semaphore, #tpu.memory_space<semaphore_mem>>)
      %dma_wait3A = arith.constant 40 : i32
      %dma_wait3A_70 = arith.constant 0 : i32
      %dma_wait3A_71 = tpu.memref_slice %arg4[%add3A, %dma_wait3A, %dma_wait3A_70] : memref<32x80x128xi32, #tpu.memory_space<hbm>> -> memref<1x40x128xi32, #tpu.memory_space<hbm>>
      %dma_wait3A_72 = tpu.memref_squeeze %dma_wait3A_71 : memref<1x40x128xi32, #tpu.memory_space<hbm>> -> memref<40x128xi32, #tpu.memory_space<hbm>>
      %dma_wait3A_73 = arith.constant 40 : i32
      %dma_wait3A_74 = arith.constant 0 : i32
      %dma_wait3A_75 = tpu.memref_slice %arg4[%add3A, %dma_wait3A_73, %dma_wait3A_74] : memref<32x80x128xi32, #tpu.memory_space<hbm>> -> memref<1x40x128xi32, #tpu.memory_space<hbm>>
      %dma_wait3A_76 = tpu.memref_squeeze %dma_wait3A_75 : memref<1x40x128xi32, #tpu.memory_space<hbm>> -> memref<40x128xi32, #tpu.memory_space<hbm>>
      tpu.wait_dma2 semaphore(%run_scoped3A : memref<!tpu.dma_semaphore, #tpu.memory_space<semaphore_mem>>) src(%dma_wait3A_76 : memref<40x128xi32, #tpu.memory_space<hbm>>) dst(%arg8 : memref<40x128xi32, #tpu.memory_space<vmem>>)
      tpu.yield
    }) : () -> ()
    %dma_start3A_31 = arith.constant 0 : i32
    %dma_start3A_32 = arith.constant 0 : i32
    %dma_start3A_33 = arith.constant 0 : i32
    %dma_start3A_34 = arith.constant 0 : i32
    %dma_start3A_35 = tpu.memref_slice %arg9[%dma_start3A_32, %dma_start3A_33, %dma_start3A_34] : memref<2x128x128xf32, #tpu.memory_space<vmem>> -> memref<1x128x128xf32, #tpu.memory_space<vmem>>
    %dma_start3A_36 = tpu.memref_squeeze %dma_start3A_35 : memref<1x128x128xf32, #tpu.memory_space<vmem>> -> memref<128x128xf32, #tpu.memory_space<vmem>>
    %dma_start3A_37 = arith.constant 0 : i32
    %dma_start3A_38 = tpu.memref_slice %arg7[%dma_start3A_31, %dma_start3A_37] : memref<40x128xi32, #tpu.memory_space<vmem>> -> memref<1x128xi32, #tpu.memory_space<vmem>>
    %dma_start3A_39 = tpu.memref_squeeze %dma_start3A_38 : memref<1x128xi32, #tpu.memory_space<vmem>> -> memref<128xi32, #tpu.memory_space<vmem>>
    %dma_start3A_40 = arith.constant 0 : i32
    %dma_start3A_41 = arith.constant 0 : i32
    %dma_start3A_42 = tpu.memref_slice %arg2[%dma_start3A_40, %dma_start3A_41] : memref<10112x128xf32, #tpu.memory_space<hbm>> -> memref<10112x128xf32, #tpu.memory_space<hbm>>
    tpu.enqueue_indirect_dma source(%dma_start3A_42 : memref<10112x128xf32, #tpu.memory_space<hbm>>) target(%dma_start3A_36 : memref<128x128xf32, #tpu.memory_space<vmem>>) offsets(%dma_start3A_39 : memref<128xi32, #tpu.memory_space<vmem>>) semaphore(%arg11 : memref<!tpu.dma_semaphore, #tpu.memory_space<semaphore_mem>>)
    %dma_start3A_43 = arith.constant 1 : i32
    %dma_start3A_44 = arith.constant 1 : i32
    %dma_start3A_45 = arith.constant 0 : i32
    %dma_start3A_46 = arith.constant 0 : i32
    %dma_start3A_47 = tpu.memref_slice %arg9[%dma_start3A_44, %dma_start3A_45, %dma_start3A_46] : memref<2x128x128xf32, #tpu.memory_space<vmem>> -> memref<1x128x128xf32, #tpu.memory_space<vmem>>
    %dma_start3A_48 = tpu.memref_squeeze %dma_start3A_47 : memref<1x128x128xf32, #tpu.memory_space<vmem>> -> memref<128x128xf32, #tpu.memory_space<vmem>>
    %dma_start3A_49 = arith.constant 0 : i32
    %dma_start3A_50 = tpu.memref_slice %arg7[%dma_start3A_43, %dma_start3A_49] : memref<40x128xi32, #tpu.memory_space<vmem>> -> memref<1x128xi32, #tpu.memory_space<vmem>>
    %dma_start3A_51 = tpu.memref_squeeze %dma_start3A_50 : memref<1x128xi32, #tpu.memory_space<vmem>> -> memref<128xi32, #tpu.memory_space<vmem>>
    %dma_start3A_52 = arith.constant 0 : i32
    %dma_start3A_53 = arith.constant 0 : i32
    %dma_start3A_54 = tpu.memref_slice %arg2[%dma_start3A_52, %dma_start3A_53] : memref<10112x128xf32, #tpu.memory_space<hbm>> -> memref<10112x128xf32, #tpu.memory_space<hbm>>
    tpu.enqueue_indirect_dma source(%dma_start3A_54 : memref<10112x128xf32, #tpu.memory_space<hbm>>) target(%dma_start3A_48 : memref<128x128xf32, #tpu.memory_space<vmem>>) offsets(%dma_start3A_51 : memref<128xi32, #tpu.memory_space<vmem>>) semaphore(%arg12 : memref<!tpu.dma_semaphore, #tpu.memory_space<semaphore_mem>>)
    %scan3A_55 = arith.constant 0 : i32
    %scan3A_56 = arith.constant 0 : i32
    %scan3A_57 = arith.constant 20 : i32
    %scan3A_58 = arith.addi %scan3A_56, %scan3A_57 : i32
    %scan3A_59 = arith.constant 1 : i32
    scf.for %scan3A_62 = %scan3A_56 to %scan3A_58 step %scan3A_59  : i32 {
      %mul3A_63 = arith.constant 2 : i32
      %mul3A_64 = arith.muli %mul3A_63, %scan3A_62 : i32
      %add3A_65 = arith.constant 0 : i32
      %add3A_66 = arith.addi %mul3A_64, %add3A_65 : i32
      %dma_wait3A = arith.constant 0 : i32
      %dma_wait3A_67 = arith.constant 0 : i32
      %dma_wait3A_68 = arith.constant 0 : i32
      %dma_wait3A_69 = tpu.memref_slice %arg9[%dma_wait3A, %dma_wait3A_67, %dma_wait3A_68] : memref<2x128x128xf32, #tpu.memory_space<vmem>> -> memref<1x128x128xf32, #tpu.memory_space<vmem>>
      %dma_wait3A_70 = tpu.memref_squeeze %dma_wait3A_69 : memref<1x128x128xf32, #tpu.memory_space<vmem>> -> memref<128x128xf32, #tpu.memory_space<vmem>>
      %dma_wait3A_71 = arith.constant 0 : i32
      %dma_wait3A_72 = tpu.memref_slice %arg7[%add3A_66, %dma_wait3A_71] : memref<40x128xi32, #tpu.memory_space<vmem>> -> memref<1x128xi32, #tpu.memory_space<vmem>>
      %dma_wait3A_73 = tpu.memref_squeeze %dma_wait3A_72 : memref<1x128xi32, #tpu.memory_space<vmem>> -> memref<128xi32, #tpu.memory_space<vmem>>
      %dma_wait3A_74 = arith.constant 0 : i32
      %dma_wait3A_75 = arith.constant 0 : i32
      %dma_wait3A_76 = tpu.memref_slice %arg2[%dma_wait3A_74, %dma_wait3A_75] : memref<10112x128xf32, #tpu.memory_space<hbm>> -> memref<10112x128xf32, #tpu.memory_space<hbm>>
      tpu.wait_indirect_dma semaphore(%arg11 : memref<!tpu.dma_semaphore, #tpu.memory_space<semaphore_mem>>) src(%dma_wait3A_76 : memref<10112x128xf32, #tpu.memory_space<hbm>>) dst(%dma_wait3A_70 : memref<128x128xf32, #tpu.memory_space<vmem>>)
      %run_scoped3A = arith.constant 0 : i32
      "tpu.region"() ({
        %run_scoped3A_104 = tpu.sem_alloc : memref<!tpu.dma_semaphore, #tpu.memory_space<semaphore_mem>>
        %dma_start3A_105 = arith.constant 0 : i32
        %dma_start3A_106 = arith.constant 0 : i32
        %dma_start3A_107 = tpu.memref_slice %arg9[%run_scoped3A, %dma_start3A_105, %dma_start3A_106] : memref<2x128x128xf32, #tpu.memory_space<vmem>> -> memref<1x128x128xf32, #tpu.memory_space<vmem>>
        %dma_start3A_108 = tpu.memref_squeeze %dma_start3A_107 : memref<1x128x128xf32, #tpu.memory_space<vmem>> -> memref<128x128xf32, #tpu.memory_space<vmem>>
        %dma_start3A_109 = arith.constant 0 : i32
        %dma_start3A_110 = tpu.memref_slice %arg8[%add3A_66, %dma_start3A_109] : memref<40x128xi32, #tpu.memory_space<vmem>> -> memref<1x128xi32, #tpu.memory_space<vmem>>
        %dma_start3A_111 = tpu.memref_squeeze %dma_start3A_110 : memref<1x128xi32, #tpu.memory_space<vmem>> -> memref<128xi32, #tpu.memory_space<vmem>>
        %dma_start3A_112 = arith.constant 0 : i32
        %dma_start3A_113 = arith.constant 0 : i32
        %dma_start3A_114 = tpu.memref_slice %arg10[%dma_start3A_112, %dma_start3A_113] : memref<10112x128xf32, #tpu.memory_space<vmem_shared>> -> memref<10112x128xf32, #tpu.memory_space<vmem_shared>>
        tpu.enqueue_indirect_dma source(%dma_start3A_108 : memref<128x128xf32, #tpu.memory_space<vmem>>) target(%dma_start3A_114 : memref<10112x128xf32, #tpu.memory_space<vmem_shared>>) offsets(%dma_start3A_111 : memref<128xi32, #tpu.memory_space<vmem>>) semaphore(%run_scoped3A_104 : memref<!tpu.dma_semaphore, #tpu.memory_space<semaphore_mem>>) {add = true}
        %dma_wait3A_115 = arith.constant 0 : i32
        %dma_wait3A_116 = arith.constant 0 : i32
        %dma_wait3A_117 = tpu.memref_slice %arg9[%run_scoped3A, %dma_wait3A_115, %dma_wait3A_116] : memref<2x128x128xf32, #tpu.memory_space<vmem>> -> memref<1x128x128xf32, #tpu.memory_space<vmem>>
        %dma_wait3A_118 = tpu.memref_squeeze %dma_wait3A_117 : memref<1x128x128xf32, #tpu.memory_space<vmem>> -> memref<128x128xf32, #tpu.memory_space<vmem>>
        %dma_wait3A_119 = arith.constant 0 : i32
        %dma_wait3A_120 = tpu.memref_slice %arg8[%add3A_66, %dma_wait3A_119] : memref<40x128xi32, #tpu.memory_space<vmem>> -> memref<1x128xi32, #tpu.memory_space<vmem>>
        %dma_wait3A_121 = tpu.memref_squeeze %dma_wait3A_120 : memref<1x128xi32, #tpu.memory_space<vmem>> -> memref<128xi32, #tpu.memory_space<vmem>>
        %dma_wait3A_122 = arith.constant 0 : i32
        %dma_wait3A_123 = arith.constant 0 : i32
        %dma_wait3A_124 = tpu.memref_slice %arg10[%dma_wait3A_122, %dma_wait3A_123] : memref<10112x128xf32, #tpu.memory_space<vmem_shared>> -> memref<10112x128xf32, #tpu.memory_space<vmem_shared>>
        tpu.wait_indirect_dma semaphore(%run_scoped3A_104 : memref<!tpu.dma_semaphore, #tpu.memory_space<semaphore_mem>>) src(%dma_wait3A_118 : memref<128x128xf32, #tpu.memory_space<vmem>>) dst(%dma_wait3A_124 : memref<10112x128xf32, #tpu.memory_space<vmem_shared>>)
        tpu.yield
      }) : () -> ()
      %add3A_77 = arith.constant 2 : i32
      %add3A_78 = arith.addi %add3A_66, %add3A_77 : i32
      %lt3A = arith.constant 40 : i32
      %lt3A_79 = arith.cmpi slt, %add3A_78, %lt3A : i32
      %convert_element_type3A = arith.extui %lt3A_79 : i1 to i32
      %cond3A = arith.constant 0 : i32
      %cond3A_80 = arith.cmpi ne, %convert_element_type3A, %cond3A : i32
      scf.if %cond3A_80 {
        %add3A_104 = arith.constant 2 : i32
        %add3A_105 = arith.addi %add3A_66, %add3A_104 : i32
        %dma_start3A_106 = arith.constant 0 : i32
        %dma_start3A_107 = arith.constant 0 : i32
        %dma_start3A_108 = arith.constant 0 : i32
        %dma_start3A_109 = tpu.memref_slice %arg9[%dma_start3A_106, %dma_start3A_107, %dma_start3A_108] : memref<2x128x128xf32, #tpu.memory_space<vmem>> -> memref<1x128x128xf32, #tpu.memory_space<vmem>>
        %dma_start3A_110 = tpu.memref_squeeze %dma_start3A_109 : memref<1x128x128xf32, #tpu.memory_space<vmem>> -> memref<128x128xf32, #tpu.memory_space<vmem>>
        %dma_start3A_111 = arith.constant 0 : i32
        %dma_start3A_112 = tpu.memref_slice %arg7[%add3A_105, %dma_start3A_111] : memref<40x128xi32, #tpu.memory_space<vmem>> -> memref<1x128xi32, #tpu.memory_space<vmem>>
        %dma_start3A_113 = tpu.memref_squeeze %dma_start3A_112 : memref<1x128xi32, #tpu.memory_space<vmem>> -> memref<128xi32, #tpu.memory_space<vmem>>
        %dma_start3A_114 = arith.constant 0 : i32
        %dma_start3A_115 = arith.constant 0 : i32
        %dma_start3A_116 = tpu.memref_slice %arg2[%dma_start3A_114, %dma_start3A_115] : memref<10112x128xf32, #tpu.memory_space<hbm>> -> memref<10112x128xf32, #tpu.memory_space<hbm>>
        tpu.enqueue_indirect_dma source(%dma_start3A_116 : memref<10112x128xf32, #tpu.memory_space<hbm>>) target(%dma_start3A_110 : memref<128x128xf32, #tpu.memory_space<vmem>>) offsets(%dma_start3A_113 : memref<128xi32, #tpu.memory_space<vmem>>) semaphore(%arg11 : memref<!tpu.dma_semaphore, #tpu.memory_space<semaphore_mem>>)
      } else {
      }
      %mul3A_81 = arith.constant 2 : i32
      %mul3A_82 = arith.muli %mul3A_81, %scan3A_62 : i32
      %add3A_83 = arith.constant 1 : i32
      %add3A_84 = arith.addi %mul3A_82, %add3A_83 : i32
      %dma_wait3A_85 = arith.constant 1 : i32
      %dma_wait3A_86 = arith.constant 0 : i32
      %dma_wait3A_87 = arith.constant 0 : i32
      %dma_wait3A_88 = tpu.memref_slice %arg9[%dma_wait3A_85, %dma_wait3A_86, %dma_wait3A_87] : memref<2x128x128xf32, #tpu.memory_space<vmem>> -> memref<1x128x128xf32, #tpu.memory_space<vmem>>
      %dma_wait3A_89 = tpu.memref_squeeze %dma_wait3A_88 : memref<1x128x128xf32, #tpu.memory_space<vmem>> -> memref<128x128xf32, #tpu.memory_space<vmem>>
      %dma_wait3A_90 = arith.constant 0 : i32
      %dma_wait3A_91 = tpu.memref_slice %arg7[%add3A_84, %dma_wait3A_90] : memref<40x128xi32, #tpu.memory_space<vmem>> -> memref<1x128xi32, #tpu.memory_space<vmem>>
      %dma_wait3A_92 = tpu.memref_squeeze %dma_wait3A_91 : memref<1x128xi32, #tpu.memory_space<vmem>> -> memref<128xi32, #tpu.memory_space<vmem>>
      %dma_wait3A_93 = arith.constant 0 : i32
      %dma_wait3A_94 = arith.constant 0 : i32
      %dma_wait3A_95 = tpu.memref_slice %arg2[%dma_wait3A_93, %dma_wait3A_94] : memref<10112x128xf32, #tpu.memory_space<hbm>> -> memref<10112x128xf32, #tpu.memory_space<hbm>>
      tpu.wait_indirect_dma semaphore(%arg12 : memref<!tpu.dma_semaphore, #tpu.memory_space<semaphore_mem>>) src(%dma_wait3A_95 : memref<10112x128xf32, #tpu.memory_space<hbm>>) dst(%dma_wait3A_89 : memref<128x128xf32, #tpu.memory_space<vmem>>)
      %run_scoped3A_96 = arith.constant 1 : i32
      "tpu.region"() ({
        %run_scoped3A_104 = tpu.sem_alloc : memref<!tpu.dma_semaphore, #tpu.memory_space<semaphore_mem>>
        %dma_start3A_105 = arith.constant 0 : i32
        %dma_start3A_106 = arith.constant 0 : i32
        %dma_start3A_107 = tpu.memref_slice %arg9[%run_scoped3A_96, %dma_start3A_105, %dma_start3A_106] : memref<2x128x128xf32, #tpu.memory_space<vmem>> -> memref<1x128x128xf32, #tpu.memory_space<vmem>>
        %dma_start3A_108 = tpu.memref_squeeze %dma_start3A_107 : memref<1x128x128xf32, #tpu.memory_space<vmem>> -> memref<128x128xf32, #tpu.memory_space<vmem>>
        %dma_start3A_109 = arith.constant 0 : i32
        %dma_start3A_110 = tpu.memref_slice %arg8[%add3A_84, %dma_start3A_109] : memref<40x128xi32, #tpu.memory_space<vmem>> -> memref<1x128xi32, #tpu.memory_space<vmem>>
        %dma_start3A_111 = tpu.memref_squeeze %dma_start3A_110 : memref<1x128xi32, #tpu.memory_space<vmem>> -> memref<128xi32, #tpu.memory_space<vmem>>
        %dma_start3A_112 = arith.constant 0 : i32
        %dma_start3A_113 = arith.constant 0 : i32
        %dma_start3A_114 = tpu.memref_slice %arg10[%dma_start3A_112, %dma_start3A_113] : memref<10112x128xf32, #tpu.memory_space<vmem_shared>> -> memref<10112x128xf32, #tpu.memory_space<vmem_shared>>
        tpu.enqueue_indirect_dma source(%dma_start3A_108 : memref<128x128xf32, #tpu.memory_space<vmem>>) target(%dma_start3A_114 : memref<10112x128xf32, #tpu.memory_space<vmem_shared>>) offsets(%dma_start3A_111 : memref<128xi32, #tpu.memory_space<vmem>>) semaphore(%run_scoped3A_104 : memref<!tpu.dma_semaphore, #tpu.memory_space<semaphore_mem>>) {add = true}
        %dma_wait3A_115 = arith.constant 0 : i32
        %dma_wait3A_116 = arith.constant 0 : i32
        %dma_wait3A_117 = tpu.memref_slice %arg9[%run_scoped3A_96, %dma_wait3A_115, %dma_wait3A_116] : memref<2x128x128xf32, #tpu.memory_space<vmem>> -> memref<1x128x128xf32, #tpu.memory_space<vmem>>
        %dma_wait3A_118 = tpu.memref_squeeze %dma_wait3A_117 : memref<1x128x128xf32, #tpu.memory_space<vmem>> -> memref<128x128xf32, #tpu.memory_space<vmem>>
        %dma_wait3A_119 = arith.constant 0 : i32
        %dma_wait3A_120 = tpu.memref_slice %arg8[%add3A_84, %dma_wait3A_119] : memref<40x128xi32, #tpu.memory_space<vmem>> -> memref<1x128xi32, #tpu.memory_space<vmem>>
        %dma_wait3A_121 = tpu.memref_squeeze %dma_wait3A_120 : memref<1x128xi32, #tpu.memory_space<vmem>> -> memref<128xi32, #tpu.memory_space<vmem>>
        %dma_wait3A_122 = arith.constant 0 : i32
        %dma_wait3A_123 = arith.constant 0 : i32
        %dma_wait3A_124 = tpu.memref_slice %arg10[%dma_wait3A_122, %dma_wait3A_123] : memref<10112x128xf32, #tpu.memory_space<vmem_shared>> -> memref<10112x128xf32, #tpu.memory_space<vmem_shared>>
        tpu.wait_indirect_dma semaphore(%run_scoped3A_104 : memref<!tpu.dma_semaphore, #tpu.memory_space<semaphore_mem>>) src(%dma_wait3A_118 : memref<128x128xf32, #tpu.memory_space<vmem>>) dst(%dma_wait3A_124 : memref<10112x128xf32, #tpu.memory_space<vmem_shared>>)
        tpu.yield
      }) : () -> ()
      %add3A_97 = arith.constant 2 : i32
      %add3A_98 = arith.addi %add3A_84, %add3A_97 : i32
      %lt3A_99 = arith.constant 40 : i32
      %lt3A_100 = arith.cmpi slt, %add3A_98, %lt3A_99 : i32
      %convert_element_type3A_101 = arith.extui %lt3A_100 : i1 to i32
      %cond3A_102 = arith.constant 0 : i32
      %cond3A_103 = arith.cmpi ne, %convert_element_type3A_101, %cond3A_102 : i32
      scf.if %cond3A_103 {
        %add3A_104 = arith.constant 2 : i32
        %add3A_105 = arith.addi %add3A_84, %add3A_104 : i32
        %dma_start3A_106 = arith.constant 1 : i32
        %dma_start3A_107 = arith.constant 0 : i32
        %dma_start3A_108 = arith.constant 0 : i32
        %dma_start3A_109 = tpu.memref_slice %arg9[%dma_start3A_106, %dma_start3A_107, %dma_start3A_108] : memref<2x128x128xf32, #tpu.memory_space<vmem>> -> memref<1x128x128xf32, #tpu.memory_space<vmem>>
        %dma_start3A_110 = tpu.memref_squeeze %dma_start3A_109 : memref<1x128x128xf32, #tpu.memory_space<vmem>> -> memref<128x128xf32, #tpu.memory_space<vmem>>
        %dma_start3A_111 = arith.constant 0 : i32
        %dma_start3A_112 = tpu.memref_slice %arg7[%add3A_105, %dma_start3A_111] : memref<40x128xi32, #tpu.memory_space<vmem>> -> memref<1x128xi32, #tpu.memory_space<vmem>>
        %dma_start3A_113 = tpu.memref_squeeze %dma_start3A_112 : memref<1x128xi32, #tpu.memory_space<vmem>> -> memref<128xi32, #tpu.memory_space<vmem>>
        %dma_start3A_114 = arith.constant 0 : i32
        %dma_start3A_115 = arith.constant 0 : i32
        %dma_start3A_116 = tpu.memref_slice %arg2[%dma_start3A_114, %dma_start3A_115] : memref<10112x128xf32, #tpu.memory_space<hbm>> -> memref<10112x128xf32, #tpu.memory_space<hbm>>
        tpu.enqueue_indirect_dma source(%dma_start3A_116 : memref<10112x128xf32, #tpu.memory_space<hbm>>) target(%dma_start3A_110 : memref<128x128xf32, #tpu.memory_space<vmem>>) offsets(%dma_start3A_113 : memref<128xi32, #tpu.memory_space<vmem>>) semaphore(%arg12 : memref<!tpu.dma_semaphore, #tpu.memory_space<semaphore_mem>>)
      } else {
      }
    }
    %scan3A_60 = arith.constant 20 : i32
    %barrier3A_61 = arith.constant 0 : index
    tpu.barrier barrier_id(%barrier3A_61)
    "tpu.region"() ({
      %run_scoped3A = tpu.sem_alloc : memref<!tpu.dma_semaphore, #tpu.memory_space<semaphore_mem>>
      %dma_start3A_62 = arith.constant 0 : i32
      %dma_start3A_63 = tpu.memref_slice %arg6[%arg0, %mul3A_2, %dma_start3A_62] : memref<2x10112x128xf32, #tpu.memory_space<hbm>> -> memref<1x632x128xf32, #tpu.memory_space<hbm>>
      %dma_start3A_64 = tpu.memref_squeeze %dma_start3A_63 : memref<1x632x128xf32, #tpu.memory_space<hbm>> -> memref<632x128xf32, #tpu.memory_space<hbm>>
      %dma_start3A_65 = arith.constant 0 : i32
      %dma_start3A_66 = tpu.memref_slice %arg10[%mul3A_2, %dma_start3A_65] : memref<10112x128xf32, #tpu.memory_space<vmem_shared>> -> memref<632x128xf32, #tpu.memory_space<vmem_shared>>
      tpu.enqueue_dma source(%dma_start3A_66 : memref<632x128xf32, #tpu.memory_space<vmem_shared>>) target(%dma_start3A_64 : memref<632x128xf32, #tpu.memory_space<hbm>>) target_semaphore(%run_scoped3A : memref<!tpu.dma_semaphore, #tpu.memory_space<semaphore_mem>>)
      %dma_wait3A = arith.constant 0 : i32
      %dma_wait3A_67 = tpu.memref_slice %arg6[%arg0, %mul3A_2, %dma_wait3A] : memref<2x10112x128xf32, #tpu.memory_space<hbm>> -> memref<1x632x128xf32, #tpu.memory_space<hbm>>
      %dma_wait3A_68 = tpu.memref_squeeze %dma_wait3A_67 : memref<1x632x128xf32, #tpu.memory_space<hbm>> -> memref<632x128xf32, #tpu.memory_space<hbm>>
      %dma_wait3A_69 = arith.constant 0 : i32
      %dma_wait3A_70 = tpu.memref_slice %arg10[%mul3A_2, %dma_wait3A_69] : memref<10112x128xf32, #tpu.memory_space<vmem_shared>> -> memref<632x128xf32, #tpu.memory_space<vmem_shared>>
      tpu.wait_dma2 semaphore(%run_scoped3A : memref<!tpu.dma_semaphore, #tpu.memory_space<semaphore_mem>>) src(%dma_wait3A_70 : memref<632x128xf32, #tpu.memory_space<vmem_shared>>) dst(%dma_wait3A_68 : memref<632x128xf32, #tpu.memory_space<hbm>>)
      tpu.yield
    }) : () -> ()
    return
  }
}

#map = affine_map<(d0, d1) -> (0, 0)>
module attributes {stable_mosaic.version = 14 : i64} {
  func.func @_deg_kernel(%arg0: i32, %arg1: i32, %arg2: memref<32x10240xi32, #tpu.memory_space<hbm>>, %arg3: memref<32x10112xf32, #tpu.memory_space<hbm>>, %arg4: memref<10240xi32, #tpu.memory_space<vmem>>, %arg5: memref<10112xf32, #tpu.memory_space<vmem>>) attributes {dimension_semantics = [#tpu.dimension_semantics<core_parallel>, #tpu.dimension_semantics<subcore_parallel>], iteration_bounds = array<i64: 2, 16>, scalar_prefetch = 0 : i64, scratch_operands = 2 : i64, tpu.core_type = #tpu.core_type<sc_vector_subcore>, window_params = [{transform_indices = #map}, {transform_indices = #map}]} {
    %mul3A = arith.constant 2 : i32
    %mul3A_0 = arith.muli %arg1, %mul3A : i32
    %add3A = arith.addi %mul3A_0, %arg0 : i32
    "tpu.region"() ({
      %run_scoped3A = tpu.sem_alloc : memref<!tpu.dma_semaphore, #tpu.memory_space<semaphore_mem>>
      %dma_start3A = arith.constant 0 : i32
      %dma_start3A_15 = tpu.memref_slice %arg2[%add3A, %dma_start3A] : memref<32x10240xi32, #tpu.memory_space<hbm>> -> memref<1x10240xi32, #tpu.memory_space<hbm>>
      %dma_start3A_16 = tpu.memref_squeeze %dma_start3A_15 : memref<1x10240xi32, #tpu.memory_space<hbm>> -> memref<10240xi32, #tpu.memory_space<hbm>>
      %dma_start3A_17 = arith.constant 0 : i32
      %dma_start3A_18 = tpu.memref_slice %arg2[%add3A, %dma_start3A_17] : memref<32x10240xi32, #tpu.memory_space<hbm>> -> memref<1x10240xi32, #tpu.memory_space<hbm>>
      %dma_start3A_19 = tpu.memref_squeeze %dma_start3A_18 : memref<1x10240xi32, #tpu.memory_space<hbm>> -> memref<10240xi32, #tpu.memory_space<hbm>>
      tpu.enqueue_dma source(%dma_start3A_19 : memref<10240xi32, #tpu.memory_space<hbm>>) target(%arg4 : memref<10240xi32, #tpu.memory_space<vmem>>) target_semaphore(%run_scoped3A : memref<!tpu.dma_semaphore, #tpu.memory_space<semaphore_mem>>)
      %dma_wait3A = arith.constant 0 : i32
      %dma_wait3A_20 = tpu.memref_slice %arg2[%add3A, %dma_wait3A] : memref<32x10240xi32, #tpu.memory_space<hbm>> -> memref<1x10240xi32, #tpu.memory_space<hbm>>
      %dma_wait3A_21 = tpu.memref_squeeze %dma_wait3A_20 : memref<1x10240xi32, #tpu.memory_space<hbm>> -> memref<10240xi32, #tpu.memory_space<hbm>>
      %dma_wait3A_22 = arith.constant 0 : i32
      %dma_wait3A_23 = tpu.memref_slice %arg2[%add3A, %dma_wait3A_22] : memref<32x10240xi32, #tpu.memory_space<hbm>> -> memref<1x10240xi32, #tpu.memory_space<hbm>>
      %dma_wait3A_24 = tpu.memref_squeeze %dma_wait3A_23 : memref<1x10240xi32, #tpu.memory_space<hbm>> -> memref<10240xi32, #tpu.memory_space<hbm>>
      tpu.wait_dma2 semaphore(%run_scoped3A : memref<!tpu.dma_semaphore, #tpu.memory_space<semaphore_mem>>) src(%dma_wait3A_24 : memref<10240xi32, #tpu.memory_space<hbm>>) dst(%arg4 : memref<10240xi32, #tpu.memory_space<vmem>>)
      tpu.yield
    }) : () -> ()
    %broadcast_in_dim3A = arith.constant 0.000000e+00 : f32
    %broadcast_in_dim3A_1 = vector.broadcast %broadcast_in_dim3A : f32 to vector<16xf32>
    %scan3A = arith.constant 0 : i32
    %scan3A_2 = arith.constant 0 : i32
    %scan3A_3 = arith.constant 632 : i32
    %scan3A_4 = arith.addi %scan3A_2, %scan3A_3 : i32
    %scan3A_5 = arith.constant 1 : i32
    scf.for %scan3A_15 = %scan3A_2 to %scan3A_4 step %scan3A_5  : i32 {
      %mul3A_16 = arith.constant 16 : i32
      %mul3A_17 = arith.muli %scan3A_15, %mul3A_16 : i32
      %swap3A = arith.index_cast %mul3A_17 : i32 to index
      %swap3A_18 = tpu.vector_load %arg5[%swap3A] {strides = array<i32>} : memref<10112xf32, #tpu.memory_space<vmem>>, vector<16xf32>,
      tpu.vector_store %arg5[%swap3A], %broadcast_in_dim3A_1 {strides = array<i32>} : memref<10112xf32, #tpu.memory_space<vmem>>, vector<16xf32>,
    }
    %scan3A_6 = arith.constant 632 : i32
    %broadcast_in_dim3A_7 = arith.constant 1.000000e+00 : f32
    %broadcast_in_dim3A_8 = vector.broadcast %broadcast_in_dim3A_7 : f32 to vector<16xf32>
    %scan3A_9 = arith.constant 0 : i32
    %scan3A_10 = arith.constant 0 : i32
    %scan3A_11 = arith.constant 640 : i32
    %scan3A_12 = arith.addi %scan3A_10, %scan3A_11 : i32
    %scan3A_13 = arith.constant 1 : i32
    scf.for %scan3A_15 = %scan3A_10 to %scan3A_12 step %scan3A_13  : i32 {
      %mul3A_16 = arith.constant 16 : i32
      %mul3A_17 = arith.muli %scan3A_15, %mul3A_16 : i32
      %get3A = arith.index_cast %mul3A_17 : i32 to index
      %get3A_18 = tpu.vector_load %arg4[%get3A] {strides = array<i32>} : memref<10240xi32, #tpu.memory_space<vmem>>, vector<16xi32>,
      tpu.vector_store_idx %arg5[%get3A_18], %broadcast_in_dim3A_8 {add = true} : memref<10112xf32, #tpu.memory_space<vmem>>[vector<16xi32>], vector<16xf32>,
    }
    %scan3A_14 = arith.constant 640 : i32
    "tpu.region"() ({
      %run_scoped3A = tpu.sem_alloc : memref<!tpu.dma_semaphore, #tpu.memory_space<semaphore_mem>>
      %dma_start3A = arith.constant 0 : i32
      %dma_start3A_15 = tpu.memref_slice %arg3[%add3A, %dma_start3A] : memref<32x10112xf32, #tpu.memory_space<hbm>> -> memref<1x10112xf32, #tpu.memory_space<hbm>>
      %dma_start3A_16 = tpu.memref_squeeze %dma_start3A_15 : memref<1x10112xf32, #tpu.memory_space<hbm>> -> memref<10112xf32, #tpu.memory_space<hbm>>
      %dma_start3A_17 = arith.constant 0 : i32
      %dma_start3A_18 = tpu.memref_slice %arg3[%add3A, %dma_start3A_17] : memref<32x10112xf32, #tpu.memory_space<hbm>> -> memref<1x10112xf32, #tpu.memory_space<hbm>>
      %dma_start3A_19 = tpu.memref_squeeze %dma_start3A_18 : memref<1x10112xf32, #tpu.memory_space<hbm>> -> memref<10112xf32, #tpu.memory_space<hbm>>
      tpu.enqueue_dma source(%arg5 : memref<10112xf32, #tpu.memory_space<vmem>>) target(%dma_start3A_19 : memref<10112xf32, #tpu.memory_space<hbm>>) target_semaphore(%run_scoped3A : memref<!tpu.dma_semaphore, #tpu.memory_space<semaphore_mem>>)
      %dma_wait3A = arith.constant 0 : i32
      %dma_wait3A_20 = tpu.memref_slice %arg3[%add3A, %dma_wait3A] : memref<32x10112xf32, #tpu.memory_space<hbm>> -> memref<1x10112xf32, #tpu.memory_space<hbm>>
      %dma_wait3A_21 = tpu.memref_squeeze %dma_wait3A_20 : memref<1x10112xf32, #tpu.memory_space<hbm>> -> memref<10112xf32, #tpu.memory_space<hbm>>
      %dma_wait3A_22 = arith.constant 0 : i32
      %dma_wait3A_23 = tpu.memref_slice %arg3[%add3A, %dma_wait3A_22] : memref<32x10112xf32, #tpu.memory_space<hbm>> -> memref<1x10112xf32, #tpu.memory_space<hbm>>
      %dma_wait3A_24 = tpu.memref_squeeze %dma_wait3A_23 : memref<1x10112xf32, #tpu.memory_space<hbm>> -> memref<10112xf32, #tpu.memory_space<hbm>>
      tpu.wait_dma2 semaphore(%run_scoped3A : memref<!tpu.dma_semaphore, #tpu.memory_space<semaphore_mem>>) src(%arg5 : memref<10112xf32, #tpu.memory_space<vmem>>) dst(%dma_wait3A_24 : memref<10112xf32, #tpu.memory_space<hbm>>)
      tpu.yield
    }) : () -> ()
    return
  }
}

#map = affine_map<(d0, d1) -> (0, 0)>
#map1 = affine_map<(d0, d1) -> (0, 0, 0)>
module attributes {stable_mosaic.version = 14 : i64} {
  func.func @_agg_kernel(%arg0: i32, %arg1: i32, %arg2: memref<10112x128xf32, #tpu.memory_space<hbm>>, %arg3: memref<32x80x128xi32, #tpu.memory_space<hbm>>, %arg4: memref<32x80x128xi32, #tpu.memory_space<hbm>>, %arg5: memref<10112x128xf32, #tpu.memory_space<hbm>>, %arg6: memref<2x10112x128xf32, #tpu.memory_space<hbm>>, %arg7: memref<40x128xi32, #tpu.memory_space<vmem>>, %arg8: memref<40x128xi32, #tpu.memory_space<vmem>>, %arg9: memref<2x128x128xf32, #tpu.memory_space<vmem>>, %arg10: memref<10112x128xf32, #tpu.memory_space<vmem_shared>>, %arg11: memref<!tpu.dma_semaphore, #tpu.memory_space<semaphore_mem>>, %arg12: memref<!tpu.dma_semaphore, #tpu.memory_space<semaphore_mem>>) attributes {dimension_semantics = [#tpu.dimension_semantics<core_parallel>, #tpu.dimension_semantics<subcore_parallel>], iteration_bounds = array<i64: 2, 16>, scalar_prefetch = 0 : i64, scratch_operands = 6 : i64, tpu.core_type = #tpu.core_type<sc_vector_subcore>, window_params = [{transform_indices = #map}, {transform_indices = #map1}, {transform_indices = #map1}, {transform_indices = #map}, {transform_indices = #map1}]} {
    %mul3A = arith.constant 2 : i32
    %mul3A_0 = arith.muli %arg1, %mul3A : i32
    %add3A = arith.addi %mul3A_0, %arg0 : i32
    %mul3A_1 = arith.constant 632 : i32
    %mul3A_2 = arith.muli %arg1, %mul3A_1 : i32
    "tpu.region"() ({
      %run_scoped3A = tpu.sem_alloc : memref<!tpu.dma_semaphore, #tpu.memory_space<semaphore_mem>>
      %dma_start3A_62 = arith.constant 0 : i32
      %dma_start3A_63 = tpu.memref_slice %arg10[%mul3A_2, %dma_start3A_62] : memref<10112x128xf32, #tpu.memory_space<vmem_shared>> -> memref<632x128xf32, #tpu.memory_space<vmem_shared>>
      %dma_start3A_64 = arith.constant 0 : i32
      %dma_start3A_65 = tpu.memref_slice %arg5[%mul3A_2, %dma_start3A_64] : memref<10112x128xf32, #tpu.memory_space<hbm>> -> memref<632x128xf32, #tpu.memory_space<hbm>>
      tpu.enqueue_dma source(%dma_start3A_65 : memref<632x128xf32, #tpu.memory_space<hbm>>) target(%dma_start3A_63 : memref<632x128xf32, #tpu.memory_space<vmem_shared>>) target_semaphore(%run_scoped3A : memref<!tpu.dma_semaphore, #tpu.memory_space<semaphore_mem>>)
      %dma_wait3A = arith.constant 0 : i32
      %dma_wait3A_66 = tpu.memref_slice %arg10[%mul3A_2, %dma_wait3A] : memref<10112x128xf32, #tpu.memory_space<vmem_shared>> -> memref<632x128xf32, #tpu.memory_space<vmem_shared>>
      %dma_wait3A_67 = arith.constant 0 : i32
      %dma_wait3A_68 = tpu.memref_slice %arg5[%mul3A_2, %dma_wait3A_67] : memref<10112x128xf32, #tpu.memory_space<hbm>> -> memref<632x128xf32, #tpu.memory_space<hbm>>
      tpu.wait_dma2 semaphore(%run_scoped3A : memref<!tpu.dma_semaphore, #tpu.memory_space<semaphore_mem>>) src(%dma_wait3A_68 : memref<632x128xf32, #tpu.memory_space<hbm>>) dst(%dma_wait3A_66 : memref<632x128xf32, #tpu.memory_space<vmem_shared>>)
      tpu.yield
    }) : () -> ()
    %barrier3A = arith.constant 0 : index
    tpu.barrier barrier_id(%barrier3A)
    "tpu.region"() ({
      %run_scoped3A = tpu.sem_alloc : memref<!tpu.dma_semaphore, #tpu.memory_space<semaphore_mem>>
      %dma_start3A_62 = arith.constant 0 : i32
      %dma_start3A_63 = arith.constant 0 : i32
      %dma_start3A_64 = tpu.memref_slice %arg3[%add3A, %dma_start3A_62, %dma_start3A_63] : memref<32x80x128xi32, #tpu.memory_space<hbm>> -> memref<1x40x128xi32, #tpu.memory_space<hbm>>
      %dma_start3A_65 = tpu.memref_squeeze %dma_start3A_64 : memref<1x40x128xi32, #tpu.memory_space<hbm>> -> memref<40x128xi32, #tpu.memory_space<hbm>>
      %dma_start3A_66 = arith.constant 0 : i32
      %dma_start3A_67 = arith.constant 0 : i32
      %dma_start3A_68 = tpu.memref_slice %arg3[%add3A, %dma_start3A_66, %dma_start3A_67] : memref<32x80x128xi32, #tpu.memory_space<hbm>> -> memref<1x40x128xi32, #tpu.memory_space<hbm>>
      %dma_start3A_69 = tpu.memref_squeeze %dma_start3A_68 : memref<1x40x128xi32, #tpu.memory_space<hbm>> -> memref<40x128xi32, #tpu.memory_space<hbm>>
      tpu.enqueue_dma source(%dma_start3A_69 : memref<40x128xi32, #tpu.memory_space<hbm>>) target(%arg7 : memref<40x128xi32, #tpu.memory_space<vmem>>) target_semaphore(%run_scoped3A : memref<!tpu.dma_semaphore, #tpu.memory_space<semaphore_mem>>)
      %dma_wait3A = arith.constant 0 : i32
      %dma_wait3A_70 = arith.constant 0 : i32
      %dma_wait3A_71 = tpu.memref_slice %arg3[%add3A, %dma_wait3A, %dma_wait3A_70] : memref<32x80x128xi32, #tpu.memory_space<hbm>> -> memref<1x40x128xi32, #tpu.memory_space<hbm>>
      %dma_wait3A_72 = tpu.memref_squeeze %dma_wait3A_71 : memref<1x40x128xi32, #tpu.memory_space<hbm>> -> memref<40x128xi32, #tpu.memory_space<hbm>>
      %dma_wait3A_73 = arith.constant 0 : i32
      %dma_wait3A_74 = arith.constant 0 : i32
      %dma_wait3A_75 = tpu.memref_slice %arg3[%add3A, %dma_wait3A_73, %dma_wait3A_74] : memref<32x80x128xi32, #tpu.memory_space<hbm>> -> memref<1x40x128xi32, #tpu.memory_space<hbm>>
      %dma_wait3A_76 = tpu.memref_squeeze %dma_wait3A_75 : memref<1x40x128xi32, #tpu.memory_space<hbm>> -> memref<40x128xi32, #tpu.memory_space<hbm>>
      tpu.wait_dma2 semaphore(%run_scoped3A : memref<!tpu.dma_semaphore, #tpu.memory_space<semaphore_mem>>) src(%dma_wait3A_76 : memref<40x128xi32, #tpu.memory_space<hbm>>) dst(%arg7 : memref<40x128xi32, #tpu.memory_space<vmem>>)
      tpu.yield
    }) : () -> ()
    "tpu.region"() ({
      %run_scoped3A = tpu.sem_alloc : memref<!tpu.dma_semaphore, #tpu.memory_space<semaphore_mem>>
      %dma_start3A_62 = arith.constant 0 : i32
      %dma_start3A_63 = arith.constant 0 : i32
      %dma_start3A_64 = tpu.memref_slice %arg4[%add3A, %dma_start3A_62, %dma_start3A_63] : memref<32x80x128xi32, #tpu.memory_space<hbm>> -> memref<1x40x128xi32, #tpu.memory_space<hbm>>
      %dma_start3A_65 = tpu.memref_squeeze %dma_start3A_64 : memref<1x40x128xi32, #tpu.memory_space<hbm>> -> memref<40x128xi32, #tpu.memory_space<hbm>>
      %dma_start3A_66 = arith.constant 0 : i32
      %dma_start3A_67 = arith.constant 0 : i32
      %dma_start3A_68 = tpu.memref_slice %arg4[%add3A, %dma_start3A_66, %dma_start3A_67] : memref<32x80x128xi32, #tpu.memory_space<hbm>> -> memref<1x40x128xi32, #tpu.memory_space<hbm>>
      %dma_start3A_69 = tpu.memref_squeeze %dma_start3A_68 : memref<1x40x128xi32, #tpu.memory_space<hbm>> -> memref<40x128xi32, #tpu.memory_space<hbm>>
      tpu.enqueue_dma source(%dma_start3A_69 : memref<40x128xi32, #tpu.memory_space<hbm>>) target(%arg8 : memref<40x128xi32, #tpu.memory_space<vmem>>) target_semaphore(%run_scoped3A : memref<!tpu.dma_semaphore, #tpu.memory_space<semaphore_mem>>)
      %dma_wait3A = arith.constant 0 : i32
      %dma_wait3A_70 = arith.constant 0 : i32
      %dma_wait3A_71 = tpu.memref_slice %arg4[%add3A, %dma_wait3A, %dma_wait3A_70] : memref<32x80x128xi32, #tpu.memory_space<hbm>> -> memref<1x40x128xi32, #tpu.memory_space<hbm>>
      %dma_wait3A_72 = tpu.memref_squeeze %dma_wait3A_71 : memref<1x40x128xi32, #tpu.memory_space<hbm>> -> memref<40x128xi32, #tpu.memory_space<hbm>>
      %dma_wait3A_73 = arith.constant 0 : i32
      %dma_wait3A_74 = arith.constant 0 : i32
      %dma_wait3A_75 = tpu.memref_slice %arg4[%add3A, %dma_wait3A_73, %dma_wait3A_74] : memref<32x80x128xi32, #tpu.memory_space<hbm>> -> memref<1x40x128xi32, #tpu.memory_space<hbm>>
      %dma_wait3A_76 = tpu.memref_squeeze %dma_wait3A_75 : memref<1x40x128xi32, #tpu.memory_space<hbm>> -> memref<40x128xi32, #tpu.memory_space<hbm>>
      tpu.wait_dma2 semaphore(%run_scoped3A : memref<!tpu.dma_semaphore, #tpu.memory_space<semaphore_mem>>) src(%dma_wait3A_76 : memref<40x128xi32, #tpu.memory_space<hbm>>) dst(%arg8 : memref<40x128xi32, #tpu.memory_space<vmem>>)
      tpu.yield
    }) : () -> ()
    %dma_start3A = arith.constant 0 : i32
    %dma_start3A_3 = arith.constant 0 : i32
    %dma_start3A_4 = arith.constant 0 : i32
    %dma_start3A_5 = arith.constant 0 : i32
    %dma_start3A_6 = tpu.memref_slice %arg9[%dma_start3A_3, %dma_start3A_4, %dma_start3A_5] : memref<2x128x128xf32, #tpu.memory_space<vmem>> -> memref<1x128x128xf32, #tpu.memory_space<vmem>>
    %dma_start3A_7 = tpu.memref_squeeze %dma_start3A_6 : memref<1x128x128xf32, #tpu.memory_space<vmem>> -> memref<128x128xf32, #tpu.memory_space<vmem>>
    %dma_start3A_8 = arith.constant 0 : i32
    %dma_start3A_9 = tpu.memref_slice %arg7[%dma_start3A, %dma_start3A_8] : memref<40x128xi32, #tpu.memory_space<vmem>> -> memref<1x128xi32, #tpu.memory_space<vmem>>
    %dma_start3A_10 = tpu.memref_squeeze %dma_start3A_9 : memref<1x128xi32, #tpu.memory_space<vmem>> -> memref<128xi32, #tpu.memory_space<vmem>>
    %dma_start3A_11 = arith.constant 0 : i32
    %dma_start3A_12 = arith.constant 0 : i32
    %dma_start3A_13 = tpu.memref_slice %arg2[%dma_start3A_11, %dma_start3A_12] : memref<10112x128xf32, #tpu.memory_space<hbm>> -> memref<10112x128xf32, #tpu.memory_space<hbm>>
    tpu.enqueue_indirect_dma source(%dma_start3A_13 : memref<10112x128xf32, #tpu.memory_space<hbm>>) target(%dma_start3A_7 : memref<128x128xf32, #tpu.memory_space<vmem>>) offsets(%dma_start3A_10 : memref<128xi32, #tpu.memory_space<vmem>>) semaphore(%arg11 : memref<!tpu.dma_semaphore, #tpu.memory_space<semaphore_mem>>)
    %dma_start3A_14 = arith.constant 1 : i32
    %dma_start3A_15 = arith.constant 1 : i32
    %dma_start3A_16 = arith.constant 0 : i32
    %dma_start3A_17 = arith.constant 0 : i32
    %dma_start3A_18 = tpu.memref_slice %arg9[%dma_start3A_15, %dma_start3A_16, %dma_start3A_17] : memref<2x128x128xf32, #tpu.memory_space<vmem>> -> memref<1x128x128xf32, #tpu.memory_space<vmem>>
    %dma_start3A_19 = tpu.memref_squeeze %dma_start3A_18 : memref<1x128x128xf32, #tpu.memory_space<vmem>> -> memref<128x128xf32, #tpu.memory_space<vmem>>
    %dma_start3A_20 = arith.constant 0 : i32
    %dma_start3A_21 = tpu.memref_slice %arg7[%dma_start3A_14, %dma_start3A_20] : memref<40x128xi32, #tpu.memory_space<vmem>> -> memref<1x128xi32, #tpu.memory_space<vmem>>
    %dma_start3A_22 = tpu.memref_squeeze %dma_start3A_21 : memref<1x128xi32, #tpu.memory_space<vmem>> -> memref<128xi32, #tpu.memory_space<vmem>>
    %dma_start3A_23 = arith.constant 0 : i32
    %dma_start3A_24 = arith.constant 0 : i32
    %dma_start3A_25 = tpu.memref_slice %arg2[%dma_start3A_23, %dma_start3A_24] : memref<10112x128xf32, #tpu.memory_space<hbm>> -> memref<10112x128xf32, #tpu.memory_space<hbm>>
    tpu.enqueue_indirect_dma source(%dma_start3A_25 : memref<10112x128xf32, #tpu.memory_space<hbm>>) target(%dma_start3A_19 : memref<128x128xf32, #tpu.memory_space<vmem>>) offsets(%dma_start3A_22 : memref<128xi32, #tpu.memory_space<vmem>>) semaphore(%arg12 : memref<!tpu.dma_semaphore, #tpu.memory_space<semaphore_mem>>)
    %scan3A = arith.constant 0 : i32
    %scan3A_26 = arith.constant 0 : i32
    %scan3A_27 = arith.constant 20 : i32
    %scan3A_28 = arith.addi %scan3A_26, %scan3A_27 : i32
    %scan3A_29 = arith.constant 1 : i32
    scf.for %scan3A_62 = %scan3A_26 to %scan3A_28 step %scan3A_29  : i32 {
      %mul3A_63 = arith.constant 2 : i32
      %mul3A_64 = arith.muli %mul3A_63, %scan3A_62 : i32
      %add3A_65 = arith.constant 0 : i32
      %add3A_66 = arith.addi %mul3A_64, %add3A_65 : i32
      %dma_wait3A = arith.constant 0 : i32
      %dma_wait3A_67 = arith.constant 0 : i32
      %dma_wait3A_68 = arith.constant 0 : i32
      %dma_wait3A_69 = tpu.memref_slice %arg9[%dma_wait3A, %dma_wait3A_67, %dma_wait3A_68] : memref<2x128x128xf32, #tpu.memory_space<vmem>> -> memref<1x128x128xf32, #tpu.memory_space<vmem>>
      %dma_wait3A_70 = tpu.memref_squeeze %dma_wait3A_69 : memref<1x128x128xf32, #tpu.memory_space<vmem>> -> memref<128x128xf32, #tpu.memory_space<vmem>>
      %dma_wait3A_71 = arith.constant 0 : i32
      %dma_wait3A_72 = tpu.memref_slice %arg7[%add3A_66, %dma_wait3A_71] : memref<40x128xi32, #tpu.memory_space<vmem>> -> memref<1x128xi32, #tpu.memory_space<vmem>>
      %dma_wait3A_73 = tpu.memref_squeeze %dma_wait3A_72 : memref<1x128xi32, #tpu.memory_space<vmem>> -> memref<128xi32, #tpu.memory_space<vmem>>
      %dma_wait3A_74 = arith.constant 0 : i32
      %dma_wait3A_75 = arith.constant 0 : i32
      %dma_wait3A_76 = tpu.memref_slice %arg2[%dma_wait3A_74, %dma_wait3A_75] : memref<10112x128xf32, #tpu.memory_space<hbm>> -> memref<10112x128xf32, #tpu.memory_space<hbm>>
      tpu.wait_indirect_dma semaphore(%arg11 : memref<!tpu.dma_semaphore, #tpu.memory_space<semaphore_mem>>) src(%dma_wait3A_76 : memref<10112x128xf32, #tpu.memory_space<hbm>>) dst(%dma_wait3A_70 : memref<128x128xf32, #tpu.memory_space<vmem>>)
      %run_scoped3A = arith.constant 0 : i32
      "tpu.region"() ({
        %run_scoped3A_104 = tpu.sem_alloc : memref<!tpu.dma_semaphore, #tpu.memory_space<semaphore_mem>>
        %dma_start3A_105 = arith.constant 0 : i32
        %dma_start3A_106 = arith.constant 0 : i32
        %dma_start3A_107 = tpu.memref_slice %arg9[%run_scoped3A, %dma_start3A_105, %dma_start3A_106] : memref<2x128x128xf32, #tpu.memory_space<vmem>> -> memref<1x128x128xf32, #tpu.memory_space<vmem>>
        %dma_start3A_108 = tpu.memref_squeeze %dma_start3A_107 : memref<1x128x128xf32, #tpu.memory_space<vmem>> -> memref<128x128xf32, #tpu.memory_space<vmem>>
        %dma_start3A_109 = arith.constant 0 : i32
        %dma_start3A_110 = tpu.memref_slice %arg8[%add3A_66, %dma_start3A_109] : memref<40x128xi32, #tpu.memory_space<vmem>> -> memref<1x128xi32, #tpu.memory_space<vmem>>
        %dma_start3A_111 = tpu.memref_squeeze %dma_start3A_110 : memref<1x128xi32, #tpu.memory_space<vmem>> -> memref<128xi32, #tpu.memory_space<vmem>>
        %dma_start3A_112 = arith.constant 0 : i32
        %dma_start3A_113 = arith.constant 0 : i32
        %dma_start3A_114 = tpu.memref_slice %arg10[%dma_start3A_112, %dma_start3A_113] : memref<10112x128xf32, #tpu.memory_space<vmem_shared>> -> memref<10112x128xf32, #tpu.memory_space<vmem_shared>>
        tpu.enqueue_indirect_dma source(%dma_start3A_108 : memref<128x128xf32, #tpu.memory_space<vmem>>) target(%dma_start3A_114 : memref<10112x128xf32, #tpu.memory_space<vmem_shared>>) offsets(%dma_start3A_111 : memref<128xi32, #tpu.memory_space<vmem>>) semaphore(%run_scoped3A_104 : memref<!tpu.dma_semaphore, #tpu.memory_space<semaphore_mem>>) {add = true}
        %dma_wait3A_115 = arith.constant 0 : i32
        %dma_wait3A_116 = arith.constant 0 : i32
        %dma_wait3A_117 = tpu.memref_slice %arg9[%run_scoped3A, %dma_wait3A_115, %dma_wait3A_116] : memref<2x128x128xf32, #tpu.memory_space<vmem>> -> memref<1x128x128xf32, #tpu.memory_space<vmem>>
        %dma_wait3A_118 = tpu.memref_squeeze %dma_wait3A_117 : memref<1x128x128xf32, #tpu.memory_space<vmem>> -> memref<128x128xf32, #tpu.memory_space<vmem>>
        %dma_wait3A_119 = arith.constant 0 : i32
        %dma_wait3A_120 = tpu.memref_slice %arg8[%add3A_66, %dma_wait3A_119] : memref<40x128xi32, #tpu.memory_space<vmem>> -> memref<1x128xi32, #tpu.memory_space<vmem>>
        %dma_wait3A_121 = tpu.memref_squeeze %dma_wait3A_120 : memref<1x128xi32, #tpu.memory_space<vmem>> -> memref<128xi32, #tpu.memory_space<vmem>>
        %dma_wait3A_122 = arith.constant 0 : i32
        %dma_wait3A_123 = arith.constant 0 : i32
        %dma_wait3A_124 = tpu.memref_slice %arg10[%dma_wait3A_122, %dma_wait3A_123] : memref<10112x128xf32, #tpu.memory_space<vmem_shared>> -> memref<10112x128xf32, #tpu.memory_space<vmem_shared>>
        tpu.wait_indirect_dma semaphore(%run_scoped3A_104 : memref<!tpu.dma_semaphore, #tpu.memory_space<semaphore_mem>>) src(%dma_wait3A_118 : memref<128x128xf32, #tpu.memory_space<vmem>>) dst(%dma_wait3A_124 : memref<10112x128xf32, #tpu.memory_space<vmem_shared>>)
        tpu.yield
      }) : () -> ()
      %add3A_77 = arith.constant 2 : i32
      %add3A_78 = arith.addi %add3A_66, %add3A_77 : i32
      %lt3A = arith.constant 40 : i32
      %lt3A_79 = arith.cmpi slt, %add3A_78, %lt3A : i32
      %convert_element_type3A = arith.extui %lt3A_79 : i1 to i32
      %cond3A = arith.constant 0 : i32
      %cond3A_80 = arith.cmpi ne, %convert_element_type3A, %cond3A : i32
      scf.if %cond3A_80 {
        %add3A_104 = arith.constant 2 : i32
        %add3A_105 = arith.addi %add3A_66, %add3A_104 : i32
        %dma_start3A_106 = arith.constant 0 : i32
        %dma_start3A_107 = arith.constant 0 : i32
        %dma_start3A_108 = arith.constant 0 : i32
        %dma_start3A_109 = tpu.memref_slice %arg9[%dma_start3A_106, %dma_start3A_107, %dma_start3A_108] : memref<2x128x128xf32, #tpu.memory_space<vmem>> -> memref<1x128x128xf32, #tpu.memory_space<vmem>>
        %dma_start3A_110 = tpu.memref_squeeze %dma_start3A_109 : memref<1x128x128xf32, #tpu.memory_space<vmem>> -> memref<128x128xf32, #tpu.memory_space<vmem>>
        %dma_start3A_111 = arith.constant 0 : i32
        %dma_start3A_112 = tpu.memref_slice %arg7[%add3A_105, %dma_start3A_111] : memref<40x128xi32, #tpu.memory_space<vmem>> -> memref<1x128xi32, #tpu.memory_space<vmem>>
        %dma_start3A_113 = tpu.memref_squeeze %dma_start3A_112 : memref<1x128xi32, #tpu.memory_space<vmem>> -> memref<128xi32, #tpu.memory_space<vmem>>
        %dma_start3A_114 = arith.constant 0 : i32
        %dma_start3A_115 = arith.constant 0 : i32
        %dma_start3A_116 = tpu.memref_slice %arg2[%dma_start3A_114, %dma_start3A_115] : memref<10112x128xf32, #tpu.memory_space<hbm>> -> memref<10112x128xf32, #tpu.memory_space<hbm>>
        tpu.enqueue_indirect_dma source(%dma_start3A_116 : memref<10112x128xf32, #tpu.memory_space<hbm>>) target(%dma_start3A_110 : memref<128x128xf32, #tpu.memory_space<vmem>>) offsets(%dma_start3A_113 : memref<128xi32, #tpu.memory_space<vmem>>) semaphore(%arg11 : memref<!tpu.dma_semaphore, #tpu.memory_space<semaphore_mem>>)
      } else {
      }
      %mul3A_81 = arith.constant 2 : i32
      %mul3A_82 = arith.muli %mul3A_81, %scan3A_62 : i32
      %add3A_83 = arith.constant 1 : i32
      %add3A_84 = arith.addi %mul3A_82, %add3A_83 : i32
      %dma_wait3A_85 = arith.constant 1 : i32
      %dma_wait3A_86 = arith.constant 0 : i32
      %dma_wait3A_87 = arith.constant 0 : i32
      %dma_wait3A_88 = tpu.memref_slice %arg9[%dma_wait3A_85, %dma_wait3A_86, %dma_wait3A_87] : memref<2x128x128xf32, #tpu.memory_space<vmem>> -> memref<1x128x128xf32, #tpu.memory_space<vmem>>
      %dma_wait3A_89 = tpu.memref_squeeze %dma_wait3A_88 : memref<1x128x128xf32, #tpu.memory_space<vmem>> -> memref<128x128xf32, #tpu.memory_space<vmem>>
      %dma_wait3A_90 = arith.constant 0 : i32
      %dma_wait3A_91 = tpu.memref_slice %arg7[%add3A_84, %dma_wait3A_90] : memref<40x128xi32, #tpu.memory_space<vmem>> -> memref<1x128xi32, #tpu.memory_space<vmem>>
      %dma_wait3A_92 = tpu.memref_squeeze %dma_wait3A_91 : memref<1x128xi32, #tpu.memory_space<vmem>> -> memref<128xi32, #tpu.memory_space<vmem>>
      %dma_wait3A_93 = arith.constant 0 : i32
      %dma_wait3A_94 = arith.constant 0 : i32
      %dma_wait3A_95 = tpu.memref_slice %arg2[%dma_wait3A_93, %dma_wait3A_94] : memref<10112x128xf32, #tpu.memory_space<hbm>> -> memref<10112x128xf32, #tpu.memory_space<hbm>>
      tpu.wait_indirect_dma semaphore(%arg12 : memref<!tpu.dma_semaphore, #tpu.memory_space<semaphore_mem>>) src(%dma_wait3A_95 : memref<10112x128xf32, #tpu.memory_space<hbm>>) dst(%dma_wait3A_89 : memref<128x128xf32, #tpu.memory_space<vmem>>)
      %run_scoped3A_96 = arith.constant 1 : i32
      "tpu.region"() ({
        %run_scoped3A_104 = tpu.sem_alloc : memref<!tpu.dma_semaphore, #tpu.memory_space<semaphore_mem>>
        %dma_start3A_105 = arith.constant 0 : i32
        %dma_start3A_106 = arith.constant 0 : i32
        %dma_start3A_107 = tpu.memref_slice %arg9[%run_scoped3A_96, %dma_start3A_105, %dma_start3A_106] : memref<2x128x128xf32, #tpu.memory_space<vmem>> -> memref<1x128x128xf32, #tpu.memory_space<vmem>>
        %dma_start3A_108 = tpu.memref_squeeze %dma_start3A_107 : memref<1x128x128xf32, #tpu.memory_space<vmem>> -> memref<128x128xf32, #tpu.memory_space<vmem>>
        %dma_start3A_109 = arith.constant 0 : i32
        %dma_start3A_110 = tpu.memref_slice %arg8[%add3A_84, %dma_start3A_109] : memref<40x128xi32, #tpu.memory_space<vmem>> -> memref<1x128xi32, #tpu.memory_space<vmem>>
        %dma_start3A_111 = tpu.memref_squeeze %dma_start3A_110 : memref<1x128xi32, #tpu.memory_space<vmem>> -> memref<128xi32, #tpu.memory_space<vmem>>
        %dma_start3A_112 = arith.constant 0 : i32
        %dma_start3A_113 = arith.constant 0 : i32
        %dma_start3A_114 = tpu.memref_slice %arg10[%dma_start3A_112, %dma_start3A_113] : memref<10112x128xf32, #tpu.memory_space<vmem_shared>> -> memref<10112x128xf32, #tpu.memory_space<vmem_shared>>
        tpu.enqueue_indirect_dma source(%dma_start3A_108 : memref<128x128xf32, #tpu.memory_space<vmem>>) target(%dma_start3A_114 : memref<10112x128xf32, #tpu.memory_space<vmem_shared>>) offsets(%dma_start3A_111 : memref<128xi32, #tpu.memory_space<vmem>>) semaphore(%run_scoped3A_104 : memref<!tpu.dma_semaphore, #tpu.memory_space<semaphore_mem>>) {add = true}
        %dma_wait3A_115 = arith.constant 0 : i32
        %dma_wait3A_116 = arith.constant 0 : i32
        %dma_wait3A_117 = tpu.memref_slice %arg9[%run_scoped3A_96, %dma_wait3A_115, %dma_wait3A_116] : memref<2x128x128xf32, #tpu.memory_space<vmem>> -> memref<1x128x128xf32, #tpu.memory_space<vmem>>
        %dma_wait3A_118 = tpu.memref_squeeze %dma_wait3A_117 : memref<1x128x128xf32, #tpu.memory_space<vmem>> -> memref<128x128xf32, #tpu.memory_space<vmem>>
        %dma_wait3A_119 = arith.constant 0 : i32
        %dma_wait3A_120 = tpu.memref_slice %arg8[%add3A_84, %dma_wait3A_119] : memref<40x128xi32, #tpu.memory_space<vmem>> -> memref<1x128xi32, #tpu.memory_space<vmem>>
        %dma_wait3A_121 = tpu.memref_squeeze %dma_wait3A_120 : memref<1x128xi32, #tpu.memory_space<vmem>> -> memref<128xi32, #tpu.memory_space<vmem>>
        %dma_wait3A_122 = arith.constant 0 : i32
        %dma_wait3A_123 = arith.constant 0 : i32
        %dma_wait3A_124 = tpu.memref_slice %arg10[%dma_wait3A_122, %dma_wait3A_123] : memref<10112x128xf32, #tpu.memory_space<vmem_shared>> -> memref<10112x128xf32, #tpu.memory_space<vmem_shared>>
        tpu.wait_indirect_dma semaphore(%run_scoped3A_104 : memref<!tpu.dma_semaphore, #tpu.memory_space<semaphore_mem>>) src(%dma_wait3A_118 : memref<128x128xf32, #tpu.memory_space<vmem>>) dst(%dma_wait3A_124 : memref<10112x128xf32, #tpu.memory_space<vmem_shared>>)
        tpu.yield
      }) : () -> ()
      %add3A_97 = arith.constant 2 : i32
      %add3A_98 = arith.addi %add3A_84, %add3A_97 : i32
      %lt3A_99 = arith.constant 40 : i32
      %lt3A_100 = arith.cmpi slt, %add3A_98, %lt3A_99 : i32
      %convert_element_type3A_101 = arith.extui %lt3A_100 : i1 to i32
      %cond3A_102 = arith.constant 0 : i32
      %cond3A_103 = arith.cmpi ne, %convert_element_type3A_101, %cond3A_102 : i32
      scf.if %cond3A_103 {
        %add3A_104 = arith.constant 2 : i32
        %add3A_105 = arith.addi %add3A_84, %add3A_104 : i32
        %dma_start3A_106 = arith.constant 1 : i32
        %dma_start3A_107 = arith.constant 0 : i32
        %dma_start3A_108 = arith.constant 0 : i32
        %dma_start3A_109 = tpu.memref_slice %arg9[%dma_start3A_106, %dma_start3A_107, %dma_start3A_108] : memref<2x128x128xf32, #tpu.memory_space<vmem>> -> memref<1x128x128xf32, #tpu.memory_space<vmem>>
        %dma_start3A_110 = tpu.memref_squeeze %dma_start3A_109 : memref<1x128x128xf32, #tpu.memory_space<vmem>> -> memref<128x128xf32, #tpu.memory_space<vmem>>
        %dma_start3A_111 = arith.constant 0 : i32
        %dma_start3A_112 = tpu.memref_slice %arg7[%add3A_105, %dma_start3A_111] : memref<40x128xi32, #tpu.memory_space<vmem>> -> memref<1x128xi32, #tpu.memory_space<vmem>>
        %dma_start3A_113 = tpu.memref_squeeze %dma_start3A_112 : memref<1x128xi32, #tpu.memory_space<vmem>> -> memref<128xi32, #tpu.memory_space<vmem>>
        %dma_start3A_114 = arith.constant 0 : i32
        %dma_start3A_115 = arith.constant 0 : i32
        %dma_start3A_116 = tpu.memref_slice %arg2[%dma_start3A_114, %dma_start3A_115] : memref<10112x128xf32, #tpu.memory_space<hbm>> -> memref<10112x128xf32, #tpu.memory_space<hbm>>
        tpu.enqueue_indirect_dma source(%dma_start3A_116 : memref<10112x128xf32, #tpu.memory_space<hbm>>) target(%dma_start3A_110 : memref<128x128xf32, #tpu.memory_space<vmem>>) offsets(%dma_start3A_113 : memref<128xi32, #tpu.memory_space<vmem>>) semaphore(%arg12 : memref<!tpu.dma_semaphore, #tpu.memory_space<semaphore_mem>>)
      } else {
      }
    }
    %scan3A_30 = arith.constant 20 : i32
    "tpu.region"() ({
      %run_scoped3A = tpu.sem_alloc : memref<!tpu.dma_semaphore, #tpu.memory_space<semaphore_mem>>
      %dma_start3A_62 = arith.constant 40 : i32
      %dma_start3A_63 = arith.constant 0 : i32
      %dma_start3A_64 = tpu.memref_slice %arg3[%add3A, %dma_start3A_62, %dma_start3A_63] : memref<32x80x128xi32, #tpu.memory_space<hbm>> -> memref<1x40x128xi32, #tpu.memory_space<hbm>>
      %dma_start3A_65 = tpu.memref_squeeze %dma_start3A_64 : memref<1x40x128xi32, #tpu.memory_space<hbm>> -> memref<40x128xi32, #tpu.memory_space<hbm>>
      %dma_start3A_66 = arith.constant 40 : i32
      %dma_start3A_67 = arith.constant 0 : i32
      %dma_start3A_68 = tpu.memref_slice %arg3[%add3A, %dma_start3A_66, %dma_start3A_67] : memref<32x80x128xi32, #tpu.memory_space<hbm>> -> memref<1x40x128xi32, #tpu.memory_space<hbm>>
      %dma_start3A_69 = tpu.memref_squeeze %dma_start3A_68 : memref<1x40x128xi32, #tpu.memory_space<hbm>> -> memref<40x128xi32, #tpu.memory_space<hbm>>
      tpu.enqueue_dma source(%dma_start3A_69 : memref<40x128xi32, #tpu.memory_space<hbm>>) target(%arg7 : memref<40x128xi32, #tpu.memory_space<vmem>>) target_semaphore(%run_scoped3A : memref<!tpu.dma_semaphore, #tpu.memory_space<semaphore_mem>>)
      %dma_wait3A = arith.constant 40 : i32
      %dma_wait3A_70 = arith.constant 0 : i32
      %dma_wait3A_71 = tpu.memref_slice %arg3[%add3A, %dma_wait3A, %dma_wait3A_70] : memref<32x80x128xi32, #tpu.memory_space<hbm>> -> memref<1x40x128xi32, #tpu.memory_space<hbm>>
      %dma_wait3A_72 = tpu.memref_squeeze %dma_wait3A_71 : memref<1x40x128xi32, #tpu.memory_space<hbm>> -> memref<40x128xi32, #tpu.memory_space<hbm>>
      %dma_wait3A_73 = arith.constant 40 : i32
      %dma_wait3A_74 = arith.constant 0 : i32
      %dma_wait3A_75 = tpu.memref_slice %arg3[%add3A, %dma_wait3A_73, %dma_wait3A_74] : memref<32x80x128xi32, #tpu.memory_space<hbm>> -> memref<1x40x128xi32, #tpu.memory_space<hbm>>
      %dma_wait3A_76 = tpu.memref_squeeze %dma_wait3A_75 : memref<1x40x128xi32, #tpu.memory_space<hbm>> -> memref<40x128xi32, #tpu.memory_space<hbm>>
      tpu.wait_dma2 semaphore(%run_scoped3A : memref<!tpu.dma_semaphore, #tpu.memory_space<semaphore_mem>>) src(%dma_wait3A_76 : memref<40x128xi32, #tpu.memory_space<hbm>>) dst(%arg7 : memref<40x128xi32, #tpu.memory_space<vmem>>)
      tpu.yield
    }) : () -> ()
    "tpu.region"() ({
      %run_scoped3A = tpu.sem_alloc : memref<!tpu.dma_semaphore, #tpu.memory_space<semaphore_mem>>
      %dma_start3A_62 = arith.constant 40 : i32
      %dma_start3A_63 = arith.constant 0 : i32
      %dma_start3A_64 = tpu.memref_slice %arg4[%add3A, %dma_start3A_62, %dma_start3A_63] : memref<32x80x128xi32, #tpu.memory_space<hbm>> -> memref<1x40x128xi32, #tpu.memory_space<hbm>>
      %dma_start3A_65 = tpu.memref_squeeze %dma_start3A_64 : memref<1x40x128xi32, #tpu.memory_space<hbm>> -> memref<40x128xi32, #tpu.memory_space<hbm>>
      %dma_start3A_66 = arith.constant 40 : i32
      %dma_start3A_67 = arith.constant 0 : i32
      %dma_start3A_68 = tpu.memref_slice %arg4[%add3A, %dma_start3A_66, %dma_start3A_67] : memref<32x80x128xi32, #tpu.memory_space<hbm>> -> memref<1x40x128xi32, #tpu.memory_space<hbm>>
      %dma_start3A_69 = tpu.memref_squeeze %dma_start3A_68 : memref<1x40x128xi32, #tpu.memory_space<hbm>> -> memref<40x128xi32, #tpu.memory_space<hbm>>
      tpu.enqueue_dma source(%dma_start3A_69 : memref<40x128xi32, #tpu.memory_space<hbm>>) target(%arg8 : memref<40x128xi32, #tpu.memory_space<vmem>>) target_semaphore(%run_scoped3A : memref<!tpu.dma_semaphore, #tpu.memory_space<semaphore_mem>>)
      %dma_wait3A = arith.constant 40 : i32
      %dma_wait3A_70 = arith.constant 0 : i32
      %dma_wait3A_71 = tpu.memref_slice %arg4[%add3A, %dma_wait3A, %dma_wait3A_70] : memref<32x80x128xi32, #tpu.memory_space<hbm>> -> memref<1x40x128xi32, #tpu.memory_space<hbm>>
      %dma_wait3A_72 = tpu.memref_squeeze %dma_wait3A_71 : memref<1x40x128xi32, #tpu.memory_space<hbm>> -> memref<40x128xi32, #tpu.memory_space<hbm>>
      %dma_wait3A_73 = arith.constant 40 : i32
      %dma_wait3A_74 = arith.constant 0 : i32
      %dma_wait3A_75 = tpu.memref_slice %arg4[%add3A, %dma_wait3A_73, %dma_wait3A_74] : memref<32x80x128xi32, #tpu.memory_space<hbm>> -> memref<1x40x128xi32, #tpu.memory_space<hbm>>
      %dma_wait3A_76 = tpu.memref_squeeze %dma_wait3A_75 : memref<1x40x128xi32, #tpu.memory_space<hbm>> -> memref<40x128xi32, #tpu.memory_space<hbm>>
      tpu.wait_dma2 semaphore(%run_scoped3A : memref<!tpu.dma_semaphore, #tpu.memory_space<semaphore_mem>>) src(%dma_wait3A_76 : memref<40x128xi32, #tpu.memory_space<hbm>>) dst(%arg8 : memref<40x128xi32, #tpu.memory_space<vmem>>)
      tpu.yield
    }) : () -> ()
    %dma_start3A_31 = arith.constant 0 : i32
    %dma_start3A_32 = arith.constant 0 : i32
    %dma_start3A_33 = arith.constant 0 : i32
    %dma_start3A_34 = arith.constant 0 : i32
    %dma_start3A_35 = tpu.memref_slice %arg9[%dma_start3A_32, %dma_start3A_33, %dma_start3A_34] : memref<2x128x128xf32, #tpu.memory_space<vmem>> -> memref<1x128x128xf32, #tpu.memory_space<vmem>>
    %dma_start3A_36 = tpu.memref_squeeze %dma_start3A_35 : memref<1x128x128xf32, #tpu.memory_space<vmem>> -> memref<128x128xf32, #tpu.memory_space<vmem>>
    %dma_start3A_37 = arith.constant 0 : i32
    %dma_start3A_38 = tpu.memref_slice %arg7[%dma_start3A_31, %dma_start3A_37] : memref<40x128xi32, #tpu.memory_space<vmem>> -> memref<1x128xi32, #tpu.memory_space<vmem>>
    %dma_start3A_39 = tpu.memref_squeeze %dma_start3A_38 : memref<1x128xi32, #tpu.memory_space<vmem>> -> memref<128xi32, #tpu.memory_space<vmem>>
    %dma_start3A_40 = arith.constant 0 : i32
    %dma_start3A_41 = arith.constant 0 : i32
    %dma_start3A_42 = tpu.memref_slice %arg2[%dma_start3A_40, %dma_start3A_41] : memref<10112x128xf32, #tpu.memory_space<hbm>> -> memref<10112x128xf32, #tpu.memory_space<hbm>>
    tpu.enqueue_indirect_dma source(%dma_start3A_42 : memref<10112x128xf32, #tpu.memory_space<hbm>>) target(%dma_start3A_36 : memref<128x128xf32, #tpu.memory_space<vmem>>) offsets(%dma_start3A_39 : memref<128xi32, #tpu.memory_space<vmem>>) semaphore(%arg11 : memref<!tpu.dma_semaphore, #tpu.memory_space<semaphore_mem>>)
    %dma_start3A_43 = arith.constant 1 : i32
    %dma_start3A_44 = arith.constant 1 : i32
    %dma_start3A_45 = arith.constant 0 : i32
    %dma_start3A_46 = arith.constant 0 : i32
    %dma_start3A_47 = tpu.memref_slice %arg9[%dma_start3A_44, %dma_start3A_45, %dma_start3A_46] : memref<2x128x128xf32, #tpu.memory_space<vmem>> -> memref<1x128x128xf32, #tpu.memory_space<vmem>>
    %dma_start3A_48 = tpu.memref_squeeze %dma_start3A_47 : memref<1x128x128xf32, #tpu.memory_space<vmem>> -> memref<128x128xf32, #tpu.memory_space<vmem>>
    %dma_start3A_49 = arith.constant 0 : i32
    %dma_start3A_50 = tpu.memref_slice %arg7[%dma_start3A_43, %dma_start3A_49] : memref<40x128xi32, #tpu.memory_space<vmem>> -> memref<1x128xi32, #tpu.memory_space<vmem>>
    %dma_start3A_51 = tpu.memref_squeeze %dma_start3A_50 : memref<1x128xi32, #tpu.memory_space<vmem>> -> memref<128xi32, #tpu.memory_space<vmem>>
    %dma_start3A_52 = arith.constant 0 : i32
    %dma_start3A_53 = arith.constant 0 : i32
    %dma_start3A_54 = tpu.memref_slice %arg2[%dma_start3A_52, %dma_start3A_53] : memref<10112x128xf32, #tpu.memory_space<hbm>> -> memref<10112x128xf32, #tpu.memory_space<hbm>>
    tpu.enqueue_indirect_dma source(%dma_start3A_54 : memref<10112x128xf32, #tpu.memory_space<hbm>>) target(%dma_start3A_48 : memref<128x128xf32, #tpu.memory_space<vmem>>) offsets(%dma_start3A_51 : memref<128xi32, #tpu.memory_space<vmem>>) semaphore(%arg12 : memref<!tpu.dma_semaphore, #tpu.memory_space<semaphore_mem>>)
    %scan3A_55 = arith.constant 0 : i32
    %scan3A_56 = arith.constant 0 : i32
    %scan3A_57 = arith.constant 20 : i32
    %scan3A_58 = arith.addi %scan3A_56, %scan3A_57 : i32
    %scan3A_59 = arith.constant 1 : i32
    scf.for %scan3A_62 = %scan3A_56 to %scan3A_58 step %scan3A_59  : i32 {
      %mul3A_63 = arith.constant 2 : i32
      %mul3A_64 = arith.muli %mul3A_63, %scan3A_62 : i32
      %add3A_65 = arith.constant 0 : i32
      %add3A_66 = arith.addi %mul3A_64, %add3A_65 : i32
      %dma_wait3A = arith.constant 0 : i32
      %dma_wait3A_67 = arith.constant 0 : i32
      %dma_wait3A_68 = arith.constant 0 : i32
      %dma_wait3A_69 = tpu.memref_slice %arg9[%dma_wait3A, %dma_wait3A_67, %dma_wait3A_68] : memref<2x128x128xf32, #tpu.memory_space<vmem>> -> memref<1x128x128xf32, #tpu.memory_space<vmem>>
      %dma_wait3A_70 = tpu.memref_squeeze %dma_wait3A_69 : memref<1x128x128xf32, #tpu.memory_space<vmem>> -> memref<128x128xf32, #tpu.memory_space<vmem>>
      %dma_wait3A_71 = arith.constant 0 : i32
      %dma_wait3A_72 = tpu.memref_slice %arg7[%add3A_66, %dma_wait3A_71] : memref<40x128xi32, #tpu.memory_space<vmem>> -> memref<1x128xi32, #tpu.memory_space<vmem>>
      %dma_wait3A_73 = tpu.memref_squeeze %dma_wait3A_72 : memref<1x128xi32, #tpu.memory_space<vmem>> -> memref<128xi32, #tpu.memory_space<vmem>>
      %dma_wait3A_74 = arith.constant 0 : i32
      %dma_wait3A_75 = arith.constant 0 : i32
      %dma_wait3A_76 = tpu.memref_slice %arg2[%dma_wait3A_74, %dma_wait3A_75] : memref<10112x128xf32, #tpu.memory_space<hbm>> -> memref<10112x128xf32, #tpu.memory_space<hbm>>
      tpu.wait_indirect_dma semaphore(%arg11 : memref<!tpu.dma_semaphore, #tpu.memory_space<semaphore_mem>>) src(%dma_wait3A_76 : memref<10112x128xf32, #tpu.memory_space<hbm>>) dst(%dma_wait3A_70 : memref<128x128xf32, #tpu.memory_space<vmem>>)
      %run_scoped3A = arith.constant 0 : i32
      "tpu.region"() ({
        %run_scoped3A_104 = tpu.sem_alloc : memref<!tpu.dma_semaphore, #tpu.memory_space<semaphore_mem>>
        %dma_start3A_105 = arith.constant 0 : i32
        %dma_start3A_106 = arith.constant 0 : i32
        %dma_start3A_107 = tpu.memref_slice %arg9[%run_scoped3A, %dma_start3A_105, %dma_start3A_106] : memref<2x128x128xf32, #tpu.memory_space<vmem>> -> memref<1x128x128xf32, #tpu.memory_space<vmem>>
        %dma_start3A_108 = tpu.memref_squeeze %dma_start3A_107 : memref<1x128x128xf32, #tpu.memory_space<vmem>> -> memref<128x128xf32, #tpu.memory_space<vmem>>
        %dma_start3A_109 = arith.constant 0 : i32
        %dma_start3A_110 = tpu.memref_slice %arg8[%add3A_66, %dma_start3A_109] : memref<40x128xi32, #tpu.memory_space<vmem>> -> memref<1x128xi32, #tpu.memory_space<vmem>>
        %dma_start3A_111 = tpu.memref_squeeze %dma_start3A_110 : memref<1x128xi32, #tpu.memory_space<vmem>> -> memref<128xi32, #tpu.memory_space<vmem>>
        %dma_start3A_112 = arith.constant 0 : i32
        %dma_start3A_113 = arith.constant 0 : i32
        %dma_start3A_114 = tpu.memref_slice %arg10[%dma_start3A_112, %dma_start3A_113] : memref<10112x128xf32, #tpu.memory_space<vmem_shared>> -> memref<10112x128xf32, #tpu.memory_space<vmem_shared>>
        tpu.enqueue_indirect_dma source(%dma_start3A_108 : memref<128x128xf32, #tpu.memory_space<vmem>>) target(%dma_start3A_114 : memref<10112x128xf32, #tpu.memory_space<vmem_shared>>) offsets(%dma_start3A_111 : memref<128xi32, #tpu.memory_space<vmem>>) semaphore(%run_scoped3A_104 : memref<!tpu.dma_semaphore, #tpu.memory_space<semaphore_mem>>) {add = true}
        %dma_wait3A_115 = arith.constant 0 : i32
        %dma_wait3A_116 = arith.constant 0 : i32
        %dma_wait3A_117 = tpu.memref_slice %arg9[%run_scoped3A, %dma_wait3A_115, %dma_wait3A_116] : memref<2x128x128xf32, #tpu.memory_space<vmem>> -> memref<1x128x128xf32, #tpu.memory_space<vmem>>
        %dma_wait3A_118 = tpu.memref_squeeze %dma_wait3A_117 : memref<1x128x128xf32, #tpu.memory_space<vmem>> -> memref<128x128xf32, #tpu.memory_space<vmem>>
        %dma_wait3A_119 = arith.constant 0 : i32
        %dma_wait3A_120 = tpu.memref_slice %arg8[%add3A_66, %dma_wait3A_119] : memref<40x128xi32, #tpu.memory_space<vmem>> -> memref<1x128xi32, #tpu.memory_space<vmem>>
        %dma_wait3A_121 = tpu.memref_squeeze %dma_wait3A_120 : memref<1x128xi32, #tpu.memory_space<vmem>> -> memref<128xi32, #tpu.memory_space<vmem>>
        %dma_wait3A_122 = arith.constant 0 : i32
        %dma_wait3A_123 = arith.constant 0 : i32
        %dma_wait3A_124 = tpu.memref_slice %arg10[%dma_wait3A_122, %dma_wait3A_123] : memref<10112x128xf32, #tpu.memory_space<vmem_shared>> -> memref<10112x128xf32, #tpu.memory_space<vmem_shared>>
        tpu.wait_indirect_dma semaphore(%run_scoped3A_104 : memref<!tpu.dma_semaphore, #tpu.memory_space<semaphore_mem>>) src(%dma_wait3A_118 : memref<128x128xf32, #tpu.memory_space<vmem>>) dst(%dma_wait3A_124 : memref<10112x128xf32, #tpu.memory_space<vmem_shared>>)
        tpu.yield
      }) : () -> ()
      %add3A_77 = arith.constant 2 : i32
      %add3A_78 = arith.addi %add3A_66, %add3A_77 : i32
      %lt3A = arith.constant 40 : i32
      %lt3A_79 = arith.cmpi slt, %add3A_78, %lt3A : i32
      %convert_element_type3A = arith.extui %lt3A_79 : i1 to i32
      %cond3A = arith.constant 0 : i32
      %cond3A_80 = arith.cmpi ne, %convert_element_type3A, %cond3A : i32
      scf.if %cond3A_80 {
        %add3A_104 = arith.constant 2 : i32
        %add3A_105 = arith.addi %add3A_66, %add3A_104 : i32
        %dma_start3A_106 = arith.constant 0 : i32
        %dma_start3A_107 = arith.constant 0 : i32
        %dma_start3A_108 = arith.constant 0 : i32
        %dma_start3A_109 = tpu.memref_slice %arg9[%dma_start3A_106, %dma_start3A_107, %dma_start3A_108] : memref<2x128x128xf32, #tpu.memory_space<vmem>> -> memref<1x128x128xf32, #tpu.memory_space<vmem>>
        %dma_start3A_110 = tpu.memref_squeeze %dma_start3A_109 : memref<1x128x128xf32, #tpu.memory_space<vmem>> -> memref<128x128xf32, #tpu.memory_space<vmem>>
        %dma_start3A_111 = arith.constant 0 : i32
        %dma_start3A_112 = tpu.memref_slice %arg7[%add3A_105, %dma_start3A_111] : memref<40x128xi32, #tpu.memory_space<vmem>> -> memref<1x128xi32, #tpu.memory_space<vmem>>
        %dma_start3A_113 = tpu.memref_squeeze %dma_start3A_112 : memref<1x128xi32, #tpu.memory_space<vmem>> -> memref<128xi32, #tpu.memory_space<vmem>>
        %dma_start3A_114 = arith.constant 0 : i32
        %dma_start3A_115 = arith.constant 0 : i32
        %dma_start3A_116 = tpu.memref_slice %arg2[%dma_start3A_114, %dma_start3A_115] : memref<10112x128xf32, #tpu.memory_space<hbm>> -> memref<10112x128xf32, #tpu.memory_space<hbm>>
        tpu.enqueue_indirect_dma source(%dma_start3A_116 : memref<10112x128xf32, #tpu.memory_space<hbm>>) target(%dma_start3A_110 : memref<128x128xf32, #tpu.memory_space<vmem>>) offsets(%dma_start3A_113 : memref<128xi32, #tpu.memory_space<vmem>>) semaphore(%arg11 : memref<!tpu.dma_semaphore, #tpu.memory_space<semaphore_mem>>)
      } else {
      }
      %mul3A_81 = arith.constant 2 : i32
      %mul3A_82 = arith.muli %mul3A_81, %scan3A_62 : i32
      %add3A_83 = arith.constant 1 : i32
      %add3A_84 = arith.addi %mul3A_82, %add3A_83 : i32
      %dma_wait3A_85 = arith.constant 1 : i32
      %dma_wait3A_86 = arith.constant 0 : i32
      %dma_wait3A_87 = arith.constant 0 : i32
      %dma_wait3A_88 = tpu.memref_slice %arg9[%dma_wait3A_85, %dma_wait3A_86, %dma_wait3A_87] : memref<2x128x128xf32, #tpu.memory_space<vmem>> -> memref<1x128x128xf32, #tpu.memory_space<vmem>>
      %dma_wait3A_89 = tpu.memref_squeeze %dma_wait3A_88 : memref<1x128x128xf32, #tpu.memory_space<vmem>> -> memref<128x128xf32, #tpu.memory_space<vmem>>
      %dma_wait3A_90 = arith.constant 0 : i32
      %dma_wait3A_91 = tpu.memref_slice %arg7[%add3A_84, %dma_wait3A_90] : memref<40x128xi32, #tpu.memory_space<vmem>> -> memref<1x128xi32, #tpu.memory_space<vmem>>
      %dma_wait3A_92 = tpu.memref_squeeze %dma_wait3A_91 : memref<1x128xi32, #tpu.memory_space<vmem>> -> memref<128xi32, #tpu.memory_space<vmem>>
      %dma_wait3A_93 = arith.constant 0 : i32
      %dma_wait3A_94 = arith.constant 0 : i32
      %dma_wait3A_95 = tpu.memref_slice %arg2[%dma_wait3A_93, %dma_wait3A_94] : memref<10112x128xf32, #tpu.memory_space<hbm>> -> memref<10112x128xf32, #tpu.memory_space<hbm>>
      tpu.wait_indirect_dma semaphore(%arg12 : memref<!tpu.dma_semaphore, #tpu.memory_space<semaphore_mem>>) src(%dma_wait3A_95 : memref<10112x128xf32, #tpu.memory_space<hbm>>) dst(%dma_wait3A_89 : memref<128x128xf32, #tpu.memory_space<vmem>>)
      %run_scoped3A_96 = arith.constant 1 : i32
      "tpu.region"() ({
        %run_scoped3A_104 = tpu.sem_alloc : memref<!tpu.dma_semaphore, #tpu.memory_space<semaphore_mem>>
        %dma_start3A_105 = arith.constant 0 : i32
        %dma_start3A_106 = arith.constant 0 : i32
        %dma_start3A_107 = tpu.memref_slice %arg9[%run_scoped3A_96, %dma_start3A_105, %dma_start3A_106] : memref<2x128x128xf32, #tpu.memory_space<vmem>> -> memref<1x128x128xf32, #tpu.memory_space<vmem>>
        %dma_start3A_108 = tpu.memref_squeeze %dma_start3A_107 : memref<1x128x128xf32, #tpu.memory_space<vmem>> -> memref<128x128xf32, #tpu.memory_space<vmem>>
        %dma_start3A_109 = arith.constant 0 : i32
        %dma_start3A_110 = tpu.memref_slice %arg8[%add3A_84, %dma_start3A_109] : memref<40x128xi32, #tpu.memory_space<vmem>> -> memref<1x128xi32, #tpu.memory_space<vmem>>
        %dma_start3A_111 = tpu.memref_squeeze %dma_start3A_110 : memref<1x128xi32, #tpu.memory_space<vmem>> -> memref<128xi32, #tpu.memory_space<vmem>>
        %dma_start3A_112 = arith.constant 0 : i32
        %dma_start3A_113 = arith.constant 0 : i32
        %dma_start3A_114 = tpu.memref_slice %arg10[%dma_start3A_112, %dma_start3A_113] : memref<10112x128xf32, #tpu.memory_space<vmem_shared>> -> memref<10112x128xf32, #tpu.memory_space<vmem_shared>>
        tpu.enqueue_indirect_dma source(%dma_start3A_108 : memref<128x128xf32, #tpu.memory_space<vmem>>) target(%dma_start3A_114 : memref<10112x128xf32, #tpu.memory_space<vmem_shared>>) offsets(%dma_start3A_111 : memref<128xi32, #tpu.memory_space<vmem>>) semaphore(%run_scoped3A_104 : memref<!tpu.dma_semaphore, #tpu.memory_space<semaphore_mem>>) {add = true}
        %dma_wait3A_115 = arith.constant 0 : i32
        %dma_wait3A_116 = arith.constant 0 : i32
        %dma_wait3A_117 = tpu.memref_slice %arg9[%run_scoped3A_96, %dma_wait3A_115, %dma_wait3A_116] : memref<2x128x128xf32, #tpu.memory_space<vmem>> -> memref<1x128x128xf32, #tpu.memory_space<vmem>>
        %dma_wait3A_118 = tpu.memref_squeeze %dma_wait3A_117 : memref<1x128x128xf32, #tpu.memory_space<vmem>> -> memref<128x128xf32, #tpu.memory_space<vmem>>
        %dma_wait3A_119 = arith.constant 0 : i32
        %dma_wait3A_120 = tpu.memref_slice %arg8[%add3A_84, %dma_wait3A_119] : memref<40x128xi32, #tpu.memory_space<vmem>> -> memref<1x128xi32, #tpu.memory_space<vmem>>
        %dma_wait3A_121 = tpu.memref_squeeze %dma_wait3A_120 : memref<1x128xi32, #tpu.memory_space<vmem>> -> memref<128xi32, #tpu.memory_space<vmem>>
        %dma_wait3A_122 = arith.constant 0 : i32
        %dma_wait3A_123 = arith.constant 0 : i32
        %dma_wait3A_124 = tpu.memref_slice %arg10[%dma_wait3A_122, %dma_wait3A_123] : memref<10112x128xf32, #tpu.memory_space<vmem_shared>> -> memref<10112x128xf32, #tpu.memory_space<vmem_shared>>
        tpu.wait_indirect_dma semaphore(%run_scoped3A_104 : memref<!tpu.dma_semaphore, #tpu.memory_space<semaphore_mem>>) src(%dma_wait3A_118 : memref<128x128xf32, #tpu.memory_space<vmem>>) dst(%dma_wait3A_124 : memref<10112x128xf32, #tpu.memory_space<vmem_shared>>)
        tpu.yield
      }) : () -> ()
      %add3A_97 = arith.constant 2 : i32
      %add3A_98 = arith.addi %add3A_84, %add3A_97 : i32
      %lt3A_99 = arith.constant 40 : i32
      %lt3A_100 = arith.cmpi slt, %add3A_98, %lt3A_99 : i32
      %convert_element_type3A_101 = arith.extui %lt3A_100 : i1 to i32
      %cond3A_102 = arith.constant 0 : i32
      %cond3A_103 = arith.cmpi ne, %convert_element_type3A_101, %cond3A_102 : i32
      scf.if %cond3A_103 {
        %add3A_104 = arith.constant 2 : i32
        %add3A_105 = arith.addi %add3A_84, %add3A_104 : i32
        %dma_start3A_106 = arith.constant 1 : i32
        %dma_start3A_107 = arith.constant 0 : i32
        %dma_start3A_108 = arith.constant 0 : i32
        %dma_start3A_109 = tpu.memref_slice %arg9[%dma_start3A_106, %dma_start3A_107, %dma_start3A_108] : memref<2x128x128xf32, #tpu.memory_space<vmem>> -> memref<1x128x128xf32, #tpu.memory_space<vmem>>
        %dma_start3A_110 = tpu.memref_squeeze %dma_start3A_109 : memref<1x128x128xf32, #tpu.memory_space<vmem>> -> memref<128x128xf32, #tpu.memory_space<vmem>>
        %dma_start3A_111 = arith.constant 0 : i32
        %dma_start3A_112 = tpu.memref_slice %arg7[%add3A_105, %dma_start3A_111] : memref<40x128xi32, #tpu.memory_space<vmem>> -> memref<1x128xi32, #tpu.memory_space<vmem>>
        %dma_start3A_113 = tpu.memref_squeeze %dma_start3A_112 : memref<1x128xi32, #tpu.memory_space<vmem>> -> memref<128xi32, #tpu.memory_space<vmem>>
        %dma_start3A_114 = arith.constant 0 : i32
        %dma_start3A_115 = arith.constant 0 : i32
        %dma_start3A_116 = tpu.memref_slice %arg2[%dma_start3A_114, %dma_start3A_115] : memref<10112x128xf32, #tpu.memory_space<hbm>> -> memref<10112x128xf32, #tpu.memory_space<hbm>>
        tpu.enqueue_indirect_dma source(%dma_start3A_116 : memref<10112x128xf32, #tpu.memory_space<hbm>>) target(%dma_start3A_110 : memref<128x128xf32, #tpu.memory_space<vmem>>) offsets(%dma_start3A_113 : memref<128xi32, #tpu.memory_space<vmem>>) semaphore(%arg12 : memref<!tpu.dma_semaphore, #tpu.memory_space<semaphore_mem>>)
      } else {
      }
    }
    %scan3A_60 = arith.constant 20 : i32
    %barrier3A_61 = arith.constant 0 : index
    tpu.barrier barrier_id(%barrier3A_61)
    "tpu.region"() ({
      %run_scoped3A = tpu.sem_alloc : memref<!tpu.dma_semaphore, #tpu.memory_space<semaphore_mem>>
      %dma_start3A_62 = arith.constant 0 : i32
      %dma_start3A_63 = tpu.memref_slice %arg6[%arg0, %mul3A_2, %dma_start3A_62] : memref<2x10112x128xf32, #tpu.memory_space<hbm>> -> memref<1x632x128xf32, #tpu.memory_space<hbm>>
      %dma_start3A_64 = tpu.memref_squeeze %dma_start3A_63 : memref<1x632x128xf32, #tpu.memory_space<hbm>> -> memref<632x128xf32, #tpu.memory_space<hbm>>
      %dma_start3A_65 = arith.constant 0 : i32
      %dma_start3A_66 = tpu.memref_slice %arg10[%mul3A_2, %dma_start3A_65] : memref<10112x128xf32, #tpu.memory_space<vmem_shared>> -> memref<632x128xf32, #tpu.memory_space<vmem_shared>>
      tpu.enqueue_dma source(%dma_start3A_66 : memref<632x128xf32, #tpu.memory_space<vmem_shared>>) target(%dma_start3A_64 : memref<632x128xf32, #tpu.memory_space<hbm>>) target_semaphore(%run_scoped3A : memref<!tpu.dma_semaphore, #tpu.memory_space<semaphore_mem>>)
      %dma_wait3A = arith.constant 0 : i32
      %dma_wait3A_67 = tpu.memref_slice %arg6[%arg0, %mul3A_2, %dma_wait3A] : memref<2x10112x128xf32, #tpu.memory_space<hbm>> -> memref<1x632x128xf32, #tpu.memory_space<hbm>>
      %dma_wait3A_68 = tpu.memref_squeeze %dma_wait3A_67 : memref<1x632x128xf32, #tpu.memory_space<hbm>> -> memref<632x128xf32, #tpu.memory_space<hbm>>
      %dma_wait3A_69 = arith.constant 0 : i32
      %dma_wait3A_70 = tpu.memref_slice %arg10[%mul3A_2, %dma_wait3A_69] : memref<10112x128xf32, #tpu.memory_space<vmem_shared>> -> memref<632x128xf32, #tpu.memory_space<vmem_shared>>
      tpu.wait_dma2 semaphore(%run_scoped3A : memref<!tpu.dma_semaphore, #tpu.memory_space<semaphore_mem>>) src(%dma_wait3A_70 : memref<632x128xf32, #tpu.memory_space<vmem_shared>>) dst(%dma_wait3A_68 : memref<632x128xf32, #tpu.memory_space<hbm>>)
      tpu.yield
    }) : () -> ()
    return
  }
}

module attributes {stable_mosaic.version = 14 : i64} {
  func.func @_dinv_body(%arg0: memref<32x10112xf32, #tpu.memory_space<vmem>>, %arg1: memref<10112xf32, #tpu.memory_space<vmem>>) attributes {dimension_semantics = [], scalar_prefetch = 0 : i64, scratch_operands = 0 : i64, tpu.core_type = #tpu.core_type<tc>} {
    %get3A = arith.constant 0 : index
    %get3A_0 = arith.constant 0 : index
    %get3A_1 = vector.load %arg0[%get3A, %get3A_0] : memref<32x10112xf32, #tpu.memory_space<vmem>>, vector<32x10112xf32>
    %reduce_sum3A = arith.constant dense<0.000000e+00> : vector<10112xf32>
    %reduce_sum3A_2 = vector.multi_reduction <add>, %get3A_1, %reduce_sum3A [0] : vector<32x10112xf32> to vector<10112xf32>
    %add3A = arith.constant 1.000000e+00 : f32
    %add3A_3 = vector.broadcast %add3A : f32 to vector<10112xf32>
    %add3A_4 = arith.addf %add3A_3, %reduce_sum3A_2 : vector<10112xf32>
    %rsqrt3A = math.rsqrt %add3A_4 : vector<10112xf32>
    %swap3A = arith.constant 0 : index
    %swap3A_5 = vector.load %arg1[%swap3A] : memref<10112xf32, #tpu.memory_space<vmem>>, vector<10112xf32>
    tpu.vector_store %arg1[%swap3A], %rsqrt3A {strides = array<i32>} : memref<10112xf32, #tpu.memory_space<vmem>>, vector<10112xf32>,
    return
  }
}

module attributes {stable_mosaic.version = 14 : i64} {
  func.func @_y1_body(%arg0: i32, %arg1: memref<1264x128xf32, #tpu.memory_space<vmem>>, %arg2: memref<1264x1xf32, #tpu.memory_space<vmem>>, %arg3: memref<128x128xf32, #tpu.memory_space<vmem>>, %arg4: memref<1264x128xf32, #tpu.memory_space<vmem>>) attributes {dimension_semantics = [#tpu.dimension_semantics<arbitrary>], iteration_bounds = array<i64: 8>, scalar_prefetch = 0 : i64, scratch_operands = 0 : i64, tpu.core_type = #tpu.core_type<tc>, window_params = [{transform_indices = @transform_0, window_bounds = array<i64: 1264, 128>}, {transform_indices = @transform_1, window_bounds = array<i64: 1264, 1>}, {pipeline_mode = #tpu.pipeline_mode<synchronous>, transform_indices = @transform_2, window_bounds = array<i64: 128, 128>}, {transform_indices = @transform_3, window_bounds = array<i64: 1264, 128>}]} {
    %get3A = arith.constant 0 : index
    %get3A_0 = arith.constant 0 : index
    %get3A_1 = vector.load %arg1[%get3A, %get3A_0] : memref<1264x128xf32, #tpu.memory_space<vmem>>, vector<1264x128xf32>
    %get3A_2 = arith.constant 0 : index
    %get3A_3 = arith.constant 0 : index
    %get3A_4 = vector.load %arg2[%get3A_2, %get3A_3] : memref<1264x1xf32, #tpu.memory_space<vmem>>, vector<1264x1xf32>
    %mul3A = vector.broadcast %get3A_4 : vector<1264x1xf32> to vector<1264x128xf32>
    %mul3A_5 = arith.mulf %get3A_1, %mul3A : vector<1264x128xf32>
    %get3A_6 = arith.constant 0 : index
    %get3A_7 = arith.constant 0 : index
    %get3A_8 = vector.load %arg3[%get3A_6, %get3A_7] : memref<128x128xf32, #tpu.memory_space<vmem>>, vector<128x128xf32>
    %dot_general3A = arith.constant dense<0.000000e+00> : vector<1264x128xf32>
    %dot_general3A_9 = tpu.matmul %mul3A_5, %get3A_8, %dot_general3A {dimension_numbers = #tpu.dot_dimension_numbers<[1], [0], [0], [1], [0, 0, 1, 1], [], []>, precision = #tpu.contract_precision<fp32>, transpose_lhs_hint = false} : vector<1264x128xf32>, vector<128x128xf32>, vector<1264x128xf32> -> vector<1264x128xf32>
    %swap3A = arith.constant 0 : index
    %swap3A_10 = arith.constant 0 : index
    %swap3A_11 = vector.load %arg4[%swap3A, %swap3A_10] : memref<1264x128xf32, #tpu.memory_space<vmem>>, vector<1264x128xf32>
    tpu.vector_store %arg4[%swap3A, %swap3A_10], %dot_general3A_9 {strides = array<i32>} : memref<1264x128xf32, #tpu.memory_space<vmem>>, vector<1264x128xf32>,
    return
  }
  func.func @transform_0(%arg0: i32) -> (i32, i32) {
    %c0_i32 = arith.constant 0 : i32
    %c0_i32_0 = arith.constant 0 : i32
    return %arg0, %c0_i32 : i32, i32
  }
  func.func @transform_1(%arg0: i32) -> (i32, i32) {
    %c0_i32 = arith.constant 0 : i32
    %c0_i32_0 = arith.constant 0 : i32
    return %arg0, %c0_i32 : i32, i32
  }
  func.func @transform_2(%arg0: i32) -> (i32, i32) {
    %c0_i32 = arith.constant 0 : i32
    %c0_i32_0 = arith.constant 0 : i32
    %c0_i32_1 = arith.constant 0 : i32
    return %c0_i32, %c0_i32_0 : i32, i32
  }
  func.func @transform_3(%arg0: i32) -> (i32, i32) {
    %c0_i32 = arith.constant 0 : i32
    %c0_i32_0 = arith.constant 0 : i32
    return %arg0, %c0_i32 : i32, i32
  }
}

module attributes {stable_mosaic.version = 14 : i64} {
  func.func @_hy2_body(%arg0: i32, %arg1: memref<2x1264x128xf32, #tpu.memory_space<vmem>>, %arg2: memref<1264x128xf32, #tpu.memory_space<vmem>>, %arg3: memref<1264x1xf32, #tpu.memory_space<vmem>>, %arg4: memref<1x128xf32, #tpu.memory_space<vmem>>, %arg5: memref<128x128xf32, #tpu.memory_space<vmem>>, %arg6: memref<1264x128xf32, #tpu.memory_space<vmem>>) attributes {dimension_semantics = [#tpu.dimension_semantics<arbitrary>], iteration_bounds = array<i64: 8>, scalar_prefetch = 0 : i64, scratch_operands = 0 : i64, tpu.core_type = #tpu.core_type<tc>, window_params = [{transform_indices = @transform_0, window_bounds = array<i64: 2, 1264, 128>}, {transform_indices = @transform_1, window_bounds = array<i64: 1264, 128>}, {transform_indices = @transform_2, window_bounds = array<i64: 1264, 1>}, {pipeline_mode = #tpu.pipeline_mode<synchronous>, transform_indices = @transform_3, window_bounds = array<i64: 1, 128>}, {pipeline_mode = #tpu.pipeline_mode<synchronous>, transform_indices = @transform_4, window_bounds = array<i64: 128, 128>}, {transform_indices = @transform_5, window_bounds = array<i64: 1264, 128>}]} {
    %get3A = arith.constant 0 : index
    %get3A_0 = arith.constant 0 : index
    %get3A_1 = vector.load %arg3[%get3A, %get3A_0] : memref<1264x1xf32, #tpu.memory_space<vmem>>, vector<1264x1xf32>
    %get3A_2 = arith.constant 0 : index
    %get3A_3 = arith.constant 0 : index
    %get3A_4 = arith.constant 0 : index
    %get3A_5 = vector.load %arg1[%get3A_2, %get3A_3, %get3A_4] : memref<2x1264x128xf32, #tpu.memory_space<vmem>>, vector<1x1264x128xf32>
    %get3A_6 = vector.shape_cast %get3A_5 : vector<1x1264x128xf32> to vector<1264x128xf32>
    %get3A_7 = arith.constant 1 : index
    %get3A_8 = arith.constant 0 : index
    %get3A_9 = arith.constant 0 : index
    %get3A_10 = vector.load %arg1[%get3A_7, %get3A_8, %get3A_9] : memref<2x1264x128xf32, #tpu.memory_space<vmem>>, vector<1x1264x128xf32>
    %get3A_11 = vector.shape_cast %get3A_10 : vector<1x1264x128xf32> to vector<1264x128xf32>
    %add3A = arith.addf %get3A_6, %get3A_11 : vector<1264x128xf32>
    %get3A_12 = arith.constant 0 : index
    %get3A_13 = arith.constant 0 : index
    %get3A_14 = vector.load %arg2[%get3A_12, %get3A_13] : memref<1264x128xf32, #tpu.memory_space<vmem>>, vector<1264x128xf32>
    %add3A_15 = arith.addf %add3A, %get3A_14 : vector<1264x128xf32>
    %mul3A = vector.broadcast %get3A_1 : vector<1264x1xf32> to vector<1264x128xf32>
    %mul3A_16 = arith.mulf %mul3A, %add3A_15 : vector<1264x128xf32>
    %get3A_17 = arith.constant 0 : index
    %get3A_18 = arith.constant 0 : index
    %get3A_19 = vector.load %arg4[%get3A_17, %get3A_18] : memref<1x128xf32, #tpu.memory_space<vmem>>, vector<1x128xf32>
    %add3A_20 = vector.broadcast %get3A_19 : vector<1x128xf32> to vector<1264x128xf32>
    %add3A_21 = arith.addf %mul3A_16, %add3A_20 : vector<1264x128xf32>
    %max3A = arith.constant 0.000000e+00 : f32
    %max3A_22 = vector.broadcast %max3A : f32 to vector<1264x128xf32>
    %max3A_23 = arith.maximumf %add3A_21, %max3A_22 : vector<1264x128xf32>
    %mul3A_24 = vector.broadcast %get3A_1 : vector<1264x1xf32> to vector<1264x128xf32>
    %mul3A_25 = arith.mulf %max3A_23, %mul3A_24 : vector<1264x128xf32>
    %get3A_26 = arith.constant 0 : index
    %get3A_27 = arith.constant 0 : index
    %get3A_28 = vector.load %arg5[%get3A_26, %get3A_27] : memref<128x128xf32, #tpu.memory_space<vmem>>, vector<128x128xf32>
    %dot_general3A = arith.constant dense<0.000000e+00> : vector<1264x128xf32>
    %dot_general3A_29 = tpu.matmul %mul3A_25, %get3A_28, %dot_general3A {dimension_numbers = #tpu.dot_dimension_numbers<[1], [0], [0], [1], [0, 0, 1, 1], [], []>, precision = #tpu.contract_precision<fp32>, transpose_lhs_hint = false} : vector<1264x128xf32>, vector<128x128xf32>, vector<1264x128xf32> -> vector<1264x128xf32>
    %swap3A = arith.constant 0 : index
    %swap3A_30 = arith.constant 0 : index
    %swap3A_31 = vector.load %arg6[%swap3A, %swap3A_30] : memref<1264x128xf32, #tpu.memory_space<vmem>>, vector<1264x128xf32>
    tpu.vector_store %arg6[%swap3A, %swap3A_30], %dot_general3A_29 {strides = array<i32>} : memref<1264x128xf32, #tpu.memory_space<vmem>>, vector<1264x128xf32>,
    return
  }
  func.func @transform_0(%arg0: i32) -> (i32, i32, i32) {
    %c0_i32 = arith.constant 0 : i32
    %c0_i32_0 = arith.constant 0 : i32
    %c0_i32_1 = arith.constant 0 : i32
    return %c0_i32, %arg0, %c0_i32_0 : i32, i32, i32
  }
  func.func @transform_1(%arg0: i32) -> (i32, i32) {
    %c0_i32 = arith.constant 0 : i32
    %c0_i32_0 = arith.constant 0 : i32
    return %arg0, %c0_i32 : i32, i32
  }
  func.func @transform_2(%arg0: i32) -> (i32, i32) {
    %c0_i32 = arith.constant 0 : i32
    %c0_i32_0 = arith.constant 0 : i32
    return %arg0, %c0_i32 : i32, i32
  }
  func.func @transform_3(%arg0: i32) -> (i32, i32) {
    %c0_i32 = arith.constant 0 : i32
    %c0_i32_0 = arith.constant 0 : i32
    %c0_i32_1 = arith.constant 0 : i32
    return %c0_i32, %c0_i32_0 : i32, i32
  }
  func.func @transform_4(%arg0: i32) -> (i32, i32) {
    %c0_i32 = arith.constant 0 : i32
    %c0_i32_0 = arith.constant 0 : i32
    %c0_i32_1 = arith.constant 0 : i32
    return %c0_i32, %c0_i32_0 : i32, i32
  }
  func.func @transform_5(%arg0: i32) -> (i32, i32) {
    %c0_i32 = arith.constant 0 : i32
    %c0_i32_0 = arith.constant 0 : i32
    return %arg0, %c0_i32 : i32, i32
  }
}

module attributes {stable_mosaic.version = 14 : i64} {
  func.func @_out_body(%arg0: i32, %arg1: memref<2x1264x128xf32, #tpu.memory_space<vmem>>, %arg2: memref<1264x128xf32, #tpu.memory_space<vmem>>, %arg3: memref<1264x1xf32, #tpu.memory_space<vmem>>, %arg4: memref<1x128xf32, #tpu.memory_space<vmem>>, %arg5: memref<128x64xf32, #tpu.memory_space<vmem>>, %arg6: memref<1x64xf32, #tpu.memory_space<vmem>>, %arg7: memref<1264x64xf32, #tpu.memory_space<vmem>>) attributes {dimension_semantics = [#tpu.dimension_semantics<arbitrary>], iteration_bounds = array<i64: 8>, scalar_prefetch = 0 : i64, scratch_operands = 0 : i64, tpu.core_type = #tpu.core_type<tc>, window_params = [{transform_indices = @transform_0, window_bounds = array<i64: 2, 1264, 128>}, {transform_indices = @transform_1, window_bounds = array<i64: 1264, 128>}, {transform_indices = @transform_2, window_bounds = array<i64: 1264, 1>}, {pipeline_mode = #tpu.pipeline_mode<synchronous>, transform_indices = @transform_3, window_bounds = array<i64: 1, 128>}, {pipeline_mode = #tpu.pipeline_mode<synchronous>, transform_indices = @transform_4, window_bounds = array<i64: 128, 64>}, {pipeline_mode = #tpu.pipeline_mode<synchronous>, transform_indices = @transform_5, window_bounds = array<i64: 1, 64>}, {transform_indices = @transform_6, window_bounds = array<i64: 1264, 64>}]} {
    %get3A = arith.constant 0 : index
    %get3A_0 = arith.constant 0 : index
    %get3A_1 = vector.load %arg3[%get3A, %get3A_0] : memref<1264x1xf32, #tpu.memory_space<vmem>>, vector<1264x1xf32>
    %get3A_2 = arith.constant 0 : index
    %get3A_3 = arith.constant 0 : index
    %get3A_4 = arith.constant 0 : index
    %get3A_5 = vector.load %arg1[%get3A_2, %get3A_3, %get3A_4] : memref<2x1264x128xf32, #tpu.memory_space<vmem>>, vector<1x1264x128xf32>
    %get3A_6 = vector.shape_cast %get3A_5 : vector<1x1264x128xf32> to vector<1264x128xf32>
    %get3A_7 = arith.constant 1 : index
    %get3A_8 = arith.constant 0 : index
    %get3A_9 = arith.constant 0 : index
    %get3A_10 = vector.load %arg1[%get3A_7, %get3A_8, %get3A_9] : memref<2x1264x128xf32, #tpu.memory_space<vmem>>, vector<1x1264x128xf32>
    %get3A_11 = vector.shape_cast %get3A_10 : vector<1x1264x128xf32> to vector<1264x128xf32>
    %add3A = arith.addf %get3A_6, %get3A_11 : vector<1264x128xf32>
    %get3A_12 = arith.constant 0 : index
    %get3A_13 = arith.constant 0 : index
    %get3A_14 = vector.load %arg2[%get3A_12, %get3A_13] : memref<1264x128xf32, #tpu.memory_space<vmem>>, vector<1264x128xf32>
    %add3A_15 = arith.addf %add3A, %get3A_14 : vector<1264x128xf32>
    %mul3A = vector.broadcast %get3A_1 : vector<1264x1xf32> to vector<1264x128xf32>
    %mul3A_16 = arith.mulf %mul3A, %add3A_15 : vector<1264x128xf32>
    %get3A_17 = arith.constant 0 : index
    %get3A_18 = arith.constant 0 : index
    %get3A_19 = vector.load %arg4[%get3A_17, %get3A_18] : memref<1x128xf32, #tpu.memory_space<vmem>>, vector<1x128xf32>
    %add3A_20 = vector.broadcast %get3A_19 : vector<1x128xf32> to vector<1264x128xf32>
    %add3A_21 = arith.addf %mul3A_16, %add3A_20 : vector<1264x128xf32>
    %max3A = arith.constant 0.000000e+00 : f32
    %max3A_22 = vector.broadcast %max3A : f32 to vector<1264x128xf32>
    %max3A_23 = arith.maximumf %add3A_21, %max3A_22 : vector<1264x128xf32>
    %get3A_24 = arith.constant 0 : index
    %get3A_25 = arith.constant 0 : index
    %get3A_26 = vector.load %arg5[%get3A_24, %get3A_25] : memref<128x64xf32, #tpu.memory_space<vmem>>, vector<128x64xf32>
    %dot_general3A = arith.constant dense<0.000000e+00> : vector<1264x64xf32>
    %dot_general3A_27 = tpu.matmul %max3A_23, %get3A_26, %dot_general3A {dimension_numbers = #tpu.dot_dimension_numbers<[1], [0], [0], [1], [0, 0, 1, 1], [], []>, precision = #tpu.contract_precision<fp32>, transpose_lhs_hint = false} : vector<1264x128xf32>, vector<128x64xf32>, vector<1264x64xf32> -> vector<1264x64xf32>
    %get3A_28 = arith.constant 0 : index
    %get3A_29 = arith.constant 0 : index
    %get3A_30 = vector.load %arg6[%get3A_28, %get3A_29] : memref<1x64xf32, #tpu.memory_space<vmem>>, vector<1x64xf32>
    %add3A_31 = vector.broadcast %get3A_30 : vector<1x64xf32> to vector<1264x64xf32>
    %add3A_32 = arith.addf %dot_general3A_27, %add3A_31 : vector<1264x64xf32>
    %reduce_max3A = arith.constant dense<0xFF800000> : vector<1264xf32>
    %reduce_max3A_33 = vector.multi_reduction <maximumf>, %add3A_32, %reduce_max3A [1] : vector<1264x64xf32> to vector<1264xf32>
    %broadcast_in_dim3A = vector.shape_cast %reduce_max3A_33 : vector<1264xf32> to vector<1264x1xf32>
    %sub3A = vector.broadcast %broadcast_in_dim3A : vector<1264x1xf32> to vector<1264x64xf32>
    %sub3A_34 = arith.subf %add3A_32, %sub3A : vector<1264x64xf32>
    %exp3A = math.exp %sub3A_34 : vector<1264x64xf32>
    %reduce_sum3A = arith.constant dense<0.000000e+00> : vector<1264xf32>
    %reduce_sum3A_35 = vector.multi_reduction <add>, %exp3A, %reduce_sum3A [1] : vector<1264x64xf32> to vector<1264xf32>
    %broadcast_in_dim3A_36 = vector.shape_cast %reduce_sum3A_35 : vector<1264xf32> to vector<1264x1xf32>
    %log3A = math.log %broadcast_in_dim3A_36 : vector<1264x1xf32>
    %add3A_37 = arith.addf %log3A, %broadcast_in_dim3A : vector<1264x1xf32>
    %sub3A_38 = vector.broadcast %add3A_37 : vector<1264x1xf32> to vector<1264x64xf32>
    %sub3A_39 = arith.subf %add3A_32, %sub3A_38 : vector<1264x64xf32>
    %swap3A = arith.constant 0 : index
    %swap3A_40 = arith.constant 0 : index
    %swap3A_41 = vector.load %arg7[%swap3A, %swap3A_40] : memref<1264x64xf32, #tpu.memory_space<vmem>>, vector<1264x64xf32>
    tpu.vector_store %arg7[%swap3A, %swap3A_40], %sub3A_39 {strides = array<i32>} : memref<1264x64xf32, #tpu.memory_space<vmem>>, vector<1264x64xf32>,
    return
  }
  func.func @transform_0(%arg0: i32) -> (i32, i32, i32) {
    %c0_i32 = arith.constant 0 : i32
    %c0_i32_0 = arith.constant 0 : i32
    %c0_i32_1 = arith.constant 0 : i32
    return %c0_i32, %arg0, %c0_i32_0 : i32, i32, i32
  }
  func.func @transform_1(%arg0: i32) -> (i32, i32) {
    %c0_i32 = arith.constant 0 : i32
    %c0_i32_0 = arith.constant 0 : i32
    return %arg0, %c0_i32 : i32, i32
  }
  func.func @transform_2(%arg0: i32) -> (i32, i32) {
    %c0_i32 = arith.constant 0 : i32
    %c0_i32_0 = arith.constant 0 : i32
    return %arg0, %c0_i32 : i32, i32
  }
  func.func @transform_3(%arg0: i32) -> (i32, i32) {
    %c0_i32 = arith.constant 0 : i32
    %c0_i32_0 = arith.constant 0 : i32
    %c0_i32_1 = arith.constant 0 : i32
    return %c0_i32, %c0_i32_0 : i32, i32
  }
  func.func @transform_4(%arg0: i32) -> (i32, i32) {
    %c0_i32 = arith.constant 0 : i32
    %c0_i32_0 = arith.constant 0 : i32
    %c0_i32_1 = arith.constant 0 : i32
    return %c0_i32, %c0_i32_0 : i32, i32
  }
  func.func @transform_5(%arg0: i32) -> (i32, i32) {
    %c0_i32 = arith.constant 0 : i32
    %c0_i32_0 = arith.constant 0 : i32
    %c0_i32_1 = arith.constant 0 : i32
    return %c0_i32, %c0_i32_0 : i32, i32
  }
  func.func @transform_6(%arg0: i32) -> (i32, i32) {
    %c0_i32 = arith.constant 0 : i32
    %c0_i32_0 = arith.constant 0 : i32
    return %arg0, %c0_i32 : i32, i32
  }
}

</mosaic_0001>

<sc_bundles>
// kernel: kernel.12.cloned.1.call-start
scs
__scs_entry_jumppad:
0x0: {  	(pc) =	sbr.rel $0x88, $3  }
0x1: {  	(tag) =	ssettag $0x0;
	lr =	simm.s32 $0x1  }
0x2: {  	[smem:$0x3F99] =	sst lr;
	_ =	strace $0xD0000000  }
0x3: {  	_ = 	snop  }
0x4: {  	_ = 	snop  }
0x5: {  	_ = 	snop  }
0x6: {  	_ = 	snop  }
0x7: {  	_ = 	snop  }
__scs_overlays_trampoline_lowered:
0x8: {  	[smem:$0x3FA8] =	sst s0  }
0x9: {  	[smem:$0x3FA9] =	sst s1  }
0xa: {  	[smem:$0x3FAA] =	sst s2  }
0xb: {  	[smem:$0x3FAB] =	sst s3  }
0xc: {  	[smem:$0x3FAC] =	sst s4  }
0xd: {  	[smem:$0x3FAD] =	sst s5  }
0xe: {  	[smem:$0x3FAE] =	sst s6  }
0xf: {  	[smem:$0x3FAF] =	sst s7  }
0x10: {  	[smem:$0x3FB0] =	sst s8  }
0x11: {  	[smem:$0x3FB1] =	sst s9;
	s0 =	simm.s32 @!p0 $0x0  }
0x12: {  	s1 =	sld [smem:$0x3F97];
	s0 =	simm.s32 @p0 $0x1  }
0x13: {  	[smem:$0x3FB2] =	sst s0;
	s0 =	simm.s32 @!p1 $0x0  }
0x14: {  	s2 =	sld [smem:$0x3F96];
	s0 =	simm.s32 @p1 $0x1  }
0x15: {  	[smem:$0x3FB3] =	sst s0;
	s0 =	simm.s32 @!p2 $0x0  }
0x16: {  	s3 =	sld [smem:$0x3FDB];
	s0 =	simm.s32 @p2 $0x1  }
0x17: {  	s4 =	simm.s32 $0x1BF5;
	[smem:$0x3FB5] =	sst s0  }
0x18: {  	s0 =	sld [smem:$0x3F98];
	_ =	swait.ge [sflag:s4], $0x0  }
0x19: {  	s7 =	sld [smem:$0x3F99]  }
0x1a: {  	s8 =	sadd.s32 $0xFFFFE003, lr  }
0x1b: {  	s9 =	sadd.s32 $0xFFFFFEF7, lr;
	s5 =	simm.s32 $0xFFFFFFFF;
	p2 =	slt.u32 s8, $0xFFFFF086  }
0x1c: {  	p1 =	slt.u32 s9, $0xF7A;
	s5 =	simm.s32 @!p2 $0x0  }
0x1d: {  	s5 =	simm.s32 @p1 $0x1;
	p0 =	seq.s32 s7, s2  }
0x1e: {  	s7 =	smul.u32 @!p0 $0xF7A, s2;
	p2 =	seq.s32 @!p0 s5, $0x0  }
0x1f: {  	s9 =	smul.u32 $0xF7A, s1;
	s8 =	simm.s32 @!p0 $0x1BF5;
	p2 =	por !p2, p0  }
0x20: {  	[sflag:s8] =	ssyncset.s32 @!p0 $0xFFFFF086;
	s6 =	sadd.s32 @!p0 s3, s7;
	s7 =	simm.s32 @!p0 $0x108  }
0x21: {  	s3 =	sadd.s32 s3, s9;
	s6 =	sadd.s32 @!p0 $0x88, s6;
	s7 =	simm.s32 @p2 $0x1082  }
0x22: {  	[simem:s7], [sflag:s8] =	dma.local @!p0 [hbm:s6], $0xF7A  }
0x23: {  	s9 =	sor.u32 $0xD0000000, s2;
	s6 =	simm.s32 $0x108;
	_ =	swait.ge @!p0 [sflag:s8], $0x0  }
0x24: {  	s3 =	sadd.s32 $0x88, s3;
	s6 =	simm.s32 @!p1 $0x1082;
	[sflag:s4] =	ssyncset.s32 $0xFFFFF086  }
0x25: {  	[simem:s6], [sflag:s4] =	dma.local [hbm:s3], $0xF7A  }
0x26: {  	[smem:$0x3F99] =	sst s1;
	(tag) =	ssettag s2;
	_ =	strace s9  }
0x27: {  	s1 =	sld [smem:$0x3FA9]  }
0x28: {  	s2 =	sld [smem:$0x3FAA]  }
0x29: {  	s4 =	sld [smem:$0x3FAC]  }
0x2a: {  	p0 =	seq.s32 s5, $0x0;
	s5 =	sld [smem:$0x3FAD]  }
0x2b: {  	s6 =	sld [smem:$0x3FAE]  }
0x2c: {  	s7 =	sld [smem:$0x3FAF]  }
0x2d: {  	s3 =	simm.s32 $0x108;
	s8 =	sld [smem:$0x3FB0]  }
0x2e: {  	s3 =	simm.s32 @!p0 $0x1082;
	s9 =	sld [smem:$0x3FB1]  }
0x2f: {  	lr =	sadd.s32 s0, s3;
	s0 =	sld [smem:$0x3FA8]  }
0x30: {  	s3 =	sld [smem:$0x3FAB]  }
0x31: {  	[smem:$0x3FB4] =	sst s10  }
0x32: {  	s10 =	sld [smem:$0x3FB2];
	_ =	sdelay $0x3  }
0x33: {  	p0 =	seq.s32 s10, $0x1;
	s10 =	sld [smem:$0x3FB4];
	_ =	sdelay $0x3  }
0x34: {  	[smem:$0x3FB4] =	sst s10  }
0x35: {  	s10 =	sld [smem:$0x3FB3];
	_ =	sdelay $0x3  }
0x36: {  	p1 =	seq.s32 s10, $0x1;
	s10 =	sld [smem:$0x3FB4];
	_ =	sdelay $0x3  }
0x37: {  	[smem:$0x3FB4] =	sst s10  }
0x38: {  	s10 =	sld [smem:$0x3FB5]  }
0x39: {  	_ = 	snop;
	(pc) =	sbr.ind lr, $3  }
0x3a: {  	_ = 	snop  }
0x3b: {  	_ = 	snop  }
0x3c: {  	p2 =	seq.s32 s10, $0x1;
	s10 =	sld [smem:$0x3FB4]  }
0x3d: {  	_ =	shalt  }
0x3e: {  	_ =	shalt  }
0x3f: {  	_ =	shalt  }
0x40: {  	_ =	shalt  }
0x41: {  	_ =	shalt  }
0x42: {  	_ =	shalt  }
0x43: {  	_ =	shalt  }
0x44: {  	_ =	shalt  }
0x45: {  	_ =	shalt  }
0x46: {  	_ =	shalt  }
0x47: {  	_ =	shalt  }
0x48: {  	_ =	shalt  }
0x49: {  	_ =	shalt  }
0x4a: {  	_ =	shalt  }
0x4b: {  	_ =	shalt  }
0x4c: {  	_ =	shalt  }
0x4d: {  	_ =	shalt  }
0x4e: {  	_ =	shalt  }
0x4f: {  	_ =	shalt  }
0x50: {  	_ =	shalt  }
0x51: {  	_ =	shalt  }
0x52: {  	_ =	shalt  }
0x53: {  	_ =	shalt  }
0x54: {  	_ =	shalt  }
0x55: {  	_ =	shalt  }
0x56: {  	_ =	shalt  }
0x57: {  	_ =	shalt  }
0x58: {  	_ =	shalt  }
0x59: {  	_ =	shalt  }
0x5a: {  	_ =	shalt  }
0x5b: {  	_ =	shalt  }
0x5c: {  	_ =	shalt  }
0x5d: {  	_ =	shalt  }
0x5e: {  	_ =	shalt  }
0x5f: {  	_ =	shalt  }
0x60: {  	_ =	shalt  }
0x61: {  	_ =	shalt  }
0x62: {  	_ =	shalt  }
0x63: {  	_ =	shalt  }
0x64: {  	_ =	shalt  }
0x65: {  	_ =	shalt  }
0x66: {  	_ =	shalt  }
0x67: {  	_ =	shalt  }
0x68: {  	_ =	shalt  }
0x69: {  	_ =	shalt  }
0x6a: {  	_ =	shalt  }
0x6b: {  	_ =	shalt  }
0x6c: {  	_ =	shalt  }
0x6d: {  	_ =	shalt  }
0x6e: {  	_ =	shalt  }
0x6f: {  	_ =	shalt  }
0x70: {  	_ =	shalt  }
0x71: {  	_ =	shalt  }
0x72: {  	_ =	shalt  }
0x73: {  	_ =	shalt  }
0x74: {  	_ =	shalt  }
0x75: {  	_ =	shalt  }
0x76: {  	_ =	shalt  }
0x77: {  	_ =	shalt  }
0x78: {  	_ =	shalt  }
0x79: {  	_ =	shalt  }
0x7a: {  	_ =	shalt  }
0x7b: {  	_ =	shalt  }
0x7c: {  	_ =	shalt  }
0x7d: {  	_ =	shalt  }
0x7e: {  	_ =	shalt  }
0x7f: {  	_ =	shalt  }
0x80: {  	_ =	shalt  }
0x81: {  	_ =	shalt  }
0x82: {  	_ =	shalt  }
0x83: {  	_ =	shalt  }
0x84: {  	_ =	shalt  }
0x85: {  	_ =	shalt  }
0x86: {  	_ =	shalt  }
0x87: {  	_ =	shalt  }
.Lfunc_end0:
.L_simem_size_0:
called_computation.1_lowered:
.L_overlay_start_0:
0x88: {  	s2 =	sld [smem:$0x3FD9]  }
0x89: {  	s3 =	sld [smem:$0x3FFE];
	_ =	sdelay $0x1  }
0x8a: {  	s1 =	srdreg.scid  }
0x8b: {  	s0 =	sand.u32 $0x1, s1  }
0x8c: {  	s16 =	sshll.u32 s0, $0xA;
	s2 =	sadd.s32 s3, s2  }
0x8d: {  	s2 =	sadd.s32 s2, s16  }
0x8e: {  	[smem:$0x3FC0] =	sst s2  }
0x8f: {  	_ = 	snop  }
0x90: {  	(tm) =	ssettm $0x1  }
0x91: {  	s17 =	sld [smem:$0x3FFB];
	_ =	sdelay $0x3  }
0x92: {  	_ =	strace s17  }
0x93: {  	s2 =	sld [smem:$0x3FFC];
	_ =	sdelay $0x3  }
0x94: {  	_ =	strace s2  }
0x95: {  	s2 =	sld [smem:$0x3FFD];
	_ =	sdelay $0x3  }
0x96: {  	_ =	strace s2  }
0x97: {  	_ =	strace $0x8FFFFFFF  }
0x98: {  	s18 =	sld [smem:$0x3FDB];
	_ =	sdelay $0x1  }
0x99: {  	s19 =	simm.s32 $_scs_section_size  }
0x9a: {  	s4 =	simm.s32 $_size__tile_overlayer_lowered;
	s5 =	simm.s32 $_tile_overlayer_lowered  }
0x9b: {  	s22 =	simm.s32 $0x1BFF;
	s21 =	sshll.u32 s5, $0x1;
	s2 =	sadd.s32 s19, s18  }
0x9c: {  	s6 =	simm.s32 $0x0;
	s20 =	sshll.u32 s4, $0x1;
	s4 =	sadd.s32 s21, s2  }
0x9d: {  	[timem:s6], [sflag:s22] =	dma.local [hbm:s4], s20  }
0x9e: {  	_ =	swait.ge [sflag:s22], s20  }
0x9f: {  	s3 =	ssub.s32 $0x0, s20;
	[sflag:s22] =	ssyncset.done $0x0  }
0xa0: {  	[sflag:s22] =	ssyncadd.s32 s3;
	_ =	sdelay $0x1  }
0xa1: {  	s23 =	simm.s32 $0x1B8B  }
0xa2: {  	_ =	swait.ge [sflag:s23], $0x1  }
0xa3: {  	[sflag:s23] =	ssyncset.done $0x0  }
0xa4: {  	s25 =	simm.s32 $0x1B8E;
	s24 =	sld [smem:$0x3FFE];
	[sflag:s23] =	ssyncadd.s32 $0xFFFFFFFF  }
0xa5: {  	s26 =	simm.s32 $execute0_lowered;
	[smem:$0x3FD2] =	sst s25  }
0xa6: {  	s4 =	sshll.u32 s26, $0x1;
	_ =	strace $0x80000049;
	[dreg:$0x1] =	wrdreg $0xFFFFFFFF  }
0xa7: {  	s28 =	simm.s32 $_size_execute0_lowered;
	s2 =	sadd.s32 s2, s4;
	[dreg:$0x0] =	wrdreg $0x0  }
0xa8: {  	s4 =	sshll.u32 s28, $0x1;
	[dreg:$0x2] =	wrdreg s2  }
0xa9: {  	[dreg:$0x3] =	wrdreg s4  }
0xaa: {  	[dreg:$0x4] =	wrdreg $0xC0  }
0xab: {  	_ =	task [dreg:s6], $0x5FFFF  }
0xac: {  	[dreg:$0x1] =	wrdreg $0xFFFFFFFF  }
0xad: {  	[dreg:$0x0] =	wrdreg $0x60  }
0xae: {  	[dreg:$0x2] =	wrdreg s24  }
0xaf: {  	[dreg:$0x3] =	wrdreg $0xA8000  }
0xb0: {  	[dreg:$0x4] =	wrdreg $0x9  }
0xb1: {  	_ =	task.clear_ibuf [dreg:s6], $0x5FFFF;
	_ =	strace $0x90000049  }
0xb2: {  	s29 =	simm.s32 $0x9;
	_ =	strace $0x8000004B  }
0xb3: {  	_ =	swait.ge [sflag:s29], $0x1  }
0xb4: {  	[sflag:s29] =	ssyncadd.s32 $0xFFFFFFFF  }
0xb5: {  	_ =	strace $0x9000004B  }
0xb6: {  	_ =	sfence  }
0xb7: {  	s30 =	sld [smem:$0x0];
	_ =	sdelay $0x2  }
0xb8: {  	s31 =	sshll.u32 s1, $0xD;
	s1 =	sshrl.u32 s1, $0x2  }
0xb9: {  	s3 =	sand.u32 $0x4000, s31;
	s1 =	sadd.s32 s1, s30  }
0xba: {  	s0 =	sor.u32 s3, s0;
	s1 =	sshll.u32 s1, $0x11  }
0xbb: {  	s0 =	sor.u32 s1, s0  }
0xbc: {  	s0 =	sadd.s32 $0x8F2B, s0  }
0xbd: {  	[sflag:s0] =	ssyncadd.remote.s32 $0x1  }
0xbe: {  	_ =	sfence.sel $0xFFFF  }
0xbf: {  	[dreg:$0x0] =	wrdreg $0xFFFFFFFF;
	(pc) =	sbr.abs _section_cstart, $3  }
0xc0: {  	[dreg:$0x1] =	wrdreg $0xFFFFFFFF  }
0xc1: {  	_ =	task.clear_ibuf [dreg:s6], $0x2FFFF;
	_ =	strace $0x9FFFFFFF  }
0xc2: {  	(tm) =	ssettm $0x7FFFFFFF  }
0xc3: {  	_ =	shalt  }
tec
execute0_lowered:
.L_overlay_start_1:
0x0: {  	(tag) =	ssettag $0x1  }
0x1: {  	s5 =	rddreg [dreg:$0x0]  }
0x2: {  	s2 =	rddreg [dreg:$0x1]  }
0x3: {  	s0 =	rddreg [dreg:$0x2];
	s3 =	simm.s32 $0x0;
	s1 =	stileid.u32  }
0x4: {  	s4 =	srdreg.scid;
	s16 =	simm.s32 $0x80;
	s17 =	simm.s32 $0x2800  }
0x5: {  	s18 =	simm.s32 $0x6800;
	s19 =	simm.s32 $0x1;
	s20 =	simm.s32 $0x2  }
0x6: {  	s21 =	simm.s32 $0x2700;
	s22 =	simm.s32 $0x2780;
	s23 =	simm.s32 $0x0  }
0x7: {  	[smem:$0x7FF] =	sst s3;
	s6 =	smul.u32 $0x13C00, s1;
	s7 =	sand.u32 $0x1, s4  }
0x8: {  	s4 =	sadd.s32 $0x20200, s5;
	s9 =	sadd.s32 $0x16200, s5;
	s11 =	sadd.s32 $0x2400, s5  }
0x9: {  	s25 =	smul.u32 $0x4F000, s1;
	s12 =	sshll.u32 s1, $0x1;
	s30 =	sshll.u32 s1, $0x6  }
0xa: {  	_ =	strace $0x8000004A;
	s8 =	smul.u32 $0x13C000, s7;
	s26 =	ssub.s32 $0x2, s7  }
0xb: {  	s28 =	sor.u32 s7, s12;
	s10 =	sshrl.u32 s6, $0x3;
	s29 =	sshrl.u32 s26, $0x1  }
0xc: {  	s12 =	smul.u32 $0x2800, s28;
	s10 =	sadd.s32 s10, s5;
	s6 =	sadd.s32 s6, s8  }
0xd: {  	s8 =	sshrl.u32 s25, $0x2;
	s14 =	ssub.s32 s26, s29;
	s6 =	sshrl.u32 s6, $0x3  }
0xe: {  	s15 =	sadd.s32 s8, s2;
	s31 =	sshrl.u32 s12, $0x3;
	s12 =	smax.u32 s14, $0x1  }
0xf: {  	s14 =	simm.s32 $0x3;
	s13 =	sadd.s32 s6, s5;
	s5 =	sadd.s32 $0x47A00, s10  }
0x10: {  	s6 =	sor.u32 $0x1C03, s30;
	s7 =	sadd.s32 s9, s31;
	s10 =	sadd.s32 $0x280, s31  }
0x11: {  	s8 =	sadd.s32 s11, s31;
	s9 =	sadd.s32 s9, s10;
	s10 =	sadd.s32 s11, s10  }
0x12: {  	s11 =	sadd.s32 $0x6F200, s13;
	s13 =	sshrl.u32 s15, $0x3;
	s15 =	simm.s32 $0x1400  }
.LBB2_1:
0x13: {  	[spmem:s13], [sflag:s6] =	dma.local [hbm:s5], $0x2780  }
0x14: {  	_ =	swait.ge [sflag:s14], $0x2780  }
0x15: {  	[sflag:s14] =	ssyncset.done $0x0  }
0x16: {  	[sflag:s14] =	ssyncadd.s32 $0xFFFFD880  }
0x17: {  	[bflag:$0x0] =	sbarrier.arrive $0xFFFF  }
0x18: {  	[tilespmem:s3], [sflag:$0x3] =	stream.linear.gather [hbm4b:s7+s3], $0x1400, $0x38;
	[tilespmem:$0x1E400] =	vst v63  }
0x19: {  	_ =	swait.ge [sflag:s14], $0x1400  }
0x1a: {  	[sflag:s14] =	ssyncset.done $0x0  }
0x1b: {  	[sflag:s14] =	ssyncadd.s32 $0xFFFFEC00  }
0x1c: {  	[tilespmem:s15], [sflag:$0x3] =	stream.linear.gather [hbm4b:s8+s3], $0x1400, $0x38;
	[tilespmem:$0x1E400] =	vst v63  }
0x1d: {  	_ =	swait.ge [sflag:s14], $0x1400  }
0x1e: {  	[sflag:s14] =	ssyncset.done $0x0  }
0x1f: {  	[sflag:s14] =	ssyncadd.s32 $0xFFFFEC00  }
0x20: {  	[tilespmem:s17], [sflag:$0x1] =	stream.indirect.gather [hbm4b:s4+s16], $0x80, s3, s16, $0xb8;
	[tilespmem:$0x1E400] =	vst v63  }
0x21: {  	_ = 	snop  }
0x22: {  	[tilespmem:s18], [sflag:$0x2] =	stream.indirect.gather [hbm4b:s4+s16], $0x80, s16, s16, $0xb8;
	[tilespmem:$0x1E400] =	vst v63  }
0x23: {  	_ =	swait.ge [sflag:s19], $0x4000  }
0x24: {  	[sflag:s19] =	ssyncset.done $0x0  }
0x25: {  	s24 =	simm.s32 $0x1400;
	[sflag:s19] =	ssyncadd.s32 $0xFFFFC000  }
0x26: {  	[spmem:s2] =	stream.indirect.scatter.add.f32 [tilespmem:s17], [sflag:$0x3], $0x80, s24, s16, $0xb8;
	[tilespmem:$0x1E400] =	vst v63  }
0x27: {  	_ =	swait.ge [sflag:s14], $0x4000  }
0x28: {  	[sflag:s14] =	ssyncset.done $0x0  }
0x29: {  	s30 =	simm.s32 $0x100;
	[sflag:s14] =	ssyncadd.s32 $0xFFFFC000  }
0x2a: {  	[tilespmem:s17], [sflag:$0x1] =	stream.indirect.gather [hbm4b:s4+s16], $0x80, s30, s16, $0xb8;
	[tilespmem:$0x1E400] =	vst v63  }
0x2b: {  	_ =	swait.ge [sflag:s20], $0x4000  }
0x2c: {  	[sflag:s20] =	ssyncset.done $0x0  }
0x2d: {  	s31 =	simm.s32 $0x1480;
	[sflag:s20] =	ssyncadd.s32 $0xFFFFC000  }
0x2e: {  	[spmem:s2] =	stream.indirect.scatter.add.f32 [tilespmem:s18], [sflag:$0x3], $0x80, s31, s16, $0xb8;
	[tilespmem:$0x1E400] =	vst v63  }
0x2f: {  	_ =	swait.ge [sflag:s14], $0x4000  }
0x30: {  	[sflag:s14] =	ssyncset.done $0x0  }
0x31: {  	s25 =	simm.s32 $0x180;
	s24 =	simm.s32 $0x400;
	[sflag:s14] =	ssyncadd.s32 $0xFFFFC000  }
.LBB2_2:
0x32: {  	[tilespmem:s18], [sflag:$0x2] =	stream.indirect.gather [hbm4b:s4+s16], $0x80, s25, s16, $0xb8;
	[tilespmem:$0x1E400] =	vst v63  }
0x33: {  	s25 =	smov.u32 s24  }
0x34: {  	p0 =	sne.s32 s24, $0x4800;
	s24 =	sadd.s32 $0x400, s24;
	_ =	swait.ge [sflag:s19], $0x4000  }
0x35: {  	s25 =	sshra.s32 s25, $0x2;
	[sflag:s19] =	ssyncset.done $0x0  }
0x36: {  	s26 =	sadd.s32 $0x1400, s25;
	[sflag:s19] =	ssyncadd.s32 $0xFFFFC000  }
0x37: {  	[spmem:s2] =	stream.indirect.scatter.add.f32 [tilespmem:s17], [sflag:$0x3], $0x80, s26, s16, $0xb8;
	[tilespmem:$0x1E400] =	vst v63  }
0x38: {  	_ =	swait.ge [sflag:s14], $0x4000  }
0x39: {  	[sflag:s14] =	ssyncset.done $0x0  }
0x3a: {  	s26 =	sadd.s32 $0x100, s25;
	[sflag:s14] =	ssyncadd.s32 $0xFFFFC000  }
0x3b: {  	[tilespmem:s17], [sflag:$0x1] =	stream.indirect.gather [hbm4b:s4+s16], $0x80, s26, s16, $0xb8;
	[tilespmem:$0x1E400] =	vst v63  }
0x3c: {  	_ =	swait.ge [sflag:s20], $0x4000  }
0x3d: {  	[sflag:s20] =	ssyncset.done $0x0  }
.Ltmp0:
0x3e: {  	s26 =	sadd.s32 $0x1480, s25;
	[sflag:s20] =	ssyncadd.s32 $0xFFFFC000;
	(pc) =	sbr.rel @p0 .LBB2_2-.Ltmp0, $4  }
0x3f: {  	[spmem:s2] =	stream.indirect.scatter.add.f32 [tilespmem:s18], [sflag:$0x3], $0x80, s26, s16, $0xb8;
	[tilespmem:$0x1E400] =	vst v63  }
0x40: {  	_ =	swait.ge [sflag:s14], $0x4000  }
0x41: {  	[sflag:s14] =	ssyncset.done $0x0  }
0x42: {  	s25 =	sadd.s32 $0x180, s25;
	[sflag:s14] =	ssyncadd.s32 $0xFFFFC000  }
0x43: {  	[tilespmem:s18], [sflag:$0x2] =	stream.indirect.gather [hbm4b:s4+s16], $0x80, s25, s16, $0xb8;
	[tilespmem:$0x1E400] =	vst v63  }
0x44: {  	_ =	swait.ge [sflag:s19], $0x4000  }
0x45: {  	[sflag:s19] =	ssyncset.done $0x0  }
0x46: {  	[sflag:s19] =	ssyncadd.s32 $0xFFFFC000  }
0x47: {  	[spmem:s2] =	stream.indirect.scatter.add.f32 [tilespmem:s17], [sflag:$0x3], $0x80, s21, s16, $0xb8;
	[tilespmem:$0x1E400] =	vst v63  }
0x48: {  	_ =	swait.ge [sflag:s14], $0x4000  }
0x49: {  	[sflag:s14] =	ssyncset.done $0x0  }
0x4a: {  	[sflag:s14] =	ssyncadd.s32 $0xFFFFC000  }
0x4b: {  	_ =	swait.ge [sflag:s20], $0x4000  }
0x4c: {  	[sflag:s20] =	ssyncset.done $0x0  }
0x4d: {  	[sflag:s20] =	ssyncadd.s32 $0xFFFFC000  }
0x4e: {  	[spmem:s2] =	stream.indirect.scatter.add.f32 [tilespmem:s18], [sflag:$0x3], $0x80, s22, s16, $0xb8;
	[tilespmem:$0x1E400] =	vst v63  }
0x4f: {  	_ =	swait.ge [sflag:s14], $0x4000  }
0x50: {  	[sflag:s14] =	ssyncset.done $0x0  }
0x51: {  	s24 =	simm.s32 $0x0;
	[sflag:s14] =	ssyncadd.s32 $0xFFFFC000  }
0x52: {  	[tilespmem:s24], [sflag:$0x3] =	stream.linear.gather [hbm4b:s9+s24], $0x1400, $0x38;
	[tilespmem:$0x1E400] =	vst v63  }
0x53: {  	_ =	swait.ge [sflag:s14], $0x1400  }
0x54: {  	[sflag:s14] =	ssyncset.done $0x0  }
0x55: {  	[sflag:s14] =	ssyncadd.s32 $0xFFFFEC00  }
0x56: {  	[tilespmem:s15], [sflag:$0x3] =	stream.linear.gather [hbm4b:s10+s24], $0x1400, $0x38;
	[tilespmem:$0x1E400] =	vst v63  }
0x57: {  	_ =	swait.ge [sflag:s14], $0x1400  }
0x58: {  	[sflag:s14] =	ssyncset.done $0x0  }
0x59: {  	[sflag:s14] =	ssyncadd.s32 $0xFFFFEC00  }
0x5a: {  	[tilespmem:s17], [sflag:$0x1] =	stream.indirect.gather [hbm4b:s4+s16], $0x80, s24, s16, $0xb8;
	[tilespmem:$0x1E400] =	vst v63  }
0x5b: {  	_ = 	snop  }
0x5c: {  	[tilespmem:s18], [sflag:$0x2] =	stream.indirect.gather [hbm4b:s4+s16], $0x80, s16, s16, $0xb8;
	[tilespmem:$0x1E400] =	vst v63  }
0x5d: {  	_ =	swait.ge [sflag:s19], $0x4000  }
0x5e: {  	[sflag:s19] =	ssyncset.done $0x0  }
0x5f: {  	s29 =	simm.s32 $0x1400;
	[sflag:s19] =	ssyncadd.s32 $0xFFFFC000  }
0x60: {  	[spmem:s2] =	stream.indirect.scatter.add.f32 [tilespmem:s17], [sflag:$0x3], $0x80, s29, s16, $0xb8;
	[tilespmem:$0x1E400] =	vst v63  }
0x61: {  	_ =	swait.ge [sflag:s14], $0x4000  }
0x62: {  	[sflag:s14] =	ssyncset.done $0x0  }
0x63: {  	s30 =	simm.s32 $0x100;
	[sflag:s14] =	ssyncadd.s32 $0xFFFFC000  }
0x64: {  	[tilespmem:s17], [sflag:$0x1] =	stream.indirect.gather [hbm4b:s4+s16], $0x80, s30, s16, $0xb8;
	[tilespmem:$0x1E400] =	vst v63  }
0x65: {  	_ =	swait.ge [sflag:s20], $0x4000  }
0x66: {  	[sflag:s20] =	ssyncset.done $0x0  }
0x67: {  	s31 =	simm.s32 $0x1480;
	[sflag:s20] =	ssyncadd.s32 $0xFFFFC000  }
0x68: {  	[spmem:s2] =	stream.indirect.scatter.add.f32 [tilespmem:s18], [sflag:$0x3], $0x80, s31, s16, $0xb8;
	[tilespmem:$0x1E400] =	vst v63  }
0x69: {  	_ =	swait.ge [sflag:s14], $0x4000  }
0x6a: {  	[sflag:s14] =	ssyncset.done $0x0  }
0x6b: {  	s25 =	simm.s32 $0x180;
	s24 =	simm.s32 $0x400;
	[sflag:s14] =	ssyncadd.s32 $0xFFFFC000  }
.LBB2_4:
0x6c: {  	[tilespmem:s18], [sflag:$0x2] =	stream.indirect.gather [hbm4b:s4+s16], $0x80, s25, s16, $0xb8;
	[tilespmem:$0x1E400] =	vst v63  }
0x6d: {  	s25 =	smov.u32 s24  }
0x6e: {  	p0 =	sne.s32 s24, $0x4800;
	s24 =	sadd.s32 $0x400, s24;
	_ =	swait.ge [sflag:s19], $0x4000  }
0x6f: {  	s25 =	sshra.s32 s25, $0x2;
	[sflag:s19] =	ssyncset.done $0x0  }
0x70: {  	s26 =	sadd.s32 $0x1400, s25;
	[sflag:s19] =	ssyncadd.s32 $0xFFFFC000  }
0x71: {  	[spmem:s2] =	stream.indirect.scatter.add.f32 [tilespmem:s17], [sflag:$0x3], $0x80, s26, s16, $0xb8;
	[tilespmem:$0x1E400] =	vst v63  }
0x72: {  	_ =	swait.ge [sflag:s14], $0x4000  }
0x73: {  	[sflag:s14] =	ssyncset.done $0x0  }
0x74: {  	s26 =	sadd.s32 $0x100, s25;
	[sflag:s14] =	ssyncadd.s32 $0xFFFFC000  }
0x75: {  	[tilespmem:s17], [sflag:$0x1] =	stream.indirect.gather [hbm4b:s4+s16], $0x80, s26, s16, $0xb8;
	[tilespmem:$0x1E400] =	vst v63  }
0x76: {  	_ =	swait.ge [sflag:s20], $0x4000  }
0x77: {  	[sflag:s20] =	ssyncset.done $0x0  }
.Ltmp1:
0x78: {  	s26 =	sadd.s32 $0x1480, s25;
	[sflag:s20] =	ssyncadd.s32 $0xFFFFC000;
	(pc) =	sbr.rel @p0 .LBB2_4-.Ltmp1, $4  }
0x79: {  	[spmem:s2] =	stream.indirect.scatter.add.f32 [tilespmem:s18], [sflag:$0x3], $0x80, s26, s16, $0xb8;
	[tilespmem:$0x1E400] =	vst v63  }
0x7a: {  	_ =	swait.ge [sflag:s14], $0x4000  }
0x7b: {  	[sflag:s14] =	ssyncset.done $0x0  }
0x7c: {  	s25 =	sadd.s32 $0x180, s25;
	[sflag:s14] =	ssyncadd.s32 $0xFFFFC000  }
0x7d: {  	[tilespmem:s18], [sflag:$0x2] =	stream.indirect.gather [hbm4b:s4+s16], $0x80, s25, s16, $0xb8;
	[tilespmem:$0x1E400] =	vst v63  }
0x7e: {  	_ =	swait.ge [sflag:s19], $0x4000  }
0x7f: {  	[sflag:s19] =	ssyncset.done $0x0  }
0x80: {  	[sflag:s19] =	ssyncadd.s32 $0xFFFFC000  }
0x81: {  	[spmem:s2] =	stream.indirect.scatter.add.f32 [tilespmem:s17], [sflag:$0x3], $0x80, s21, s16, $0xb8;
	[tilespmem:$0x1E400] =	vst v63  }
0x82: {  	_ =	swait.ge [sflag:s14], $0x4000  }
0x83: {  	[sflag:s14] =	ssyncset.done $0x0  }
0x84: {  	[sflag:s14] =	ssyncadd.s32 $0xFFFFC000  }
0x85: {  	_ =	swait.ge [sflag:s20], $0x4000  }
0x86: {  	[sflag:s20] =	ssyncset.done $0x0  }
0x87: {  	[sflag:s20] =	ssyncadd.s32 $0xFFFFC000  }
0x88: {  	[spmem:s2] =	stream.indirect.scatter.add.f32 [tilespmem:s18], [sflag:$0x3], $0x80, s22, s16, $0xb8;
	[tilespmem:$0x1E400] =	vst v63  }
0x89: {  	_ =	swait.ge [sflag:s14], $0x4000  }
0x8a: {  	s23 =	sadd.s32 $0x1, s23;
	[sflag:s14] =	ssyncset.done $0x0  }
0x8b: {  	p0 =	sne.s32 s23, s12;
	[sflag:s14] =	ssyncadd.s32 $0xFFFFC000  }
.Ltmp2:
0x8c: {  	[bflag:$0x0] =	sbarrier.arrive $0xFFFF;
	(pc) =	sbr.rel @p0 .LBB2_1-.Ltmp2, $4  }
0x8d: {  	[hbm:s11], [sflag:s6] =	dma.local [spmem:s13], $0x2780  }
0x8e: {  	_ =	swait.ge [sflag:s14], $0x2780  }
0x8f: {  	[sflag:s14] =	ssyncset.done $0x0  }
0x90: {  	[sflag:s14] =	ssyncadd.s32 $0xFFFFD880  }
0x91: {  	_ =	sfence.sel $0x180000  }
0x92: {  	[bflag:$0x0] =	sbarrier.arrive $0xFFFF  }
0x93: {  	p0 =	sne.s32 s1, $0x0;
	_ =	strace $0x9000004A  }
0x94: {  	s0 =	sadd.s32 @!p0 $0x100000, s0;
	[bflag:$0x2] =	sbarrier.arrive $0xFFFF  }
0x95: {  	[sflag:s0] =	ssyncadd.tile.s32 @!p0 $0x1;
	_ =	shalt  }
.Lfunc_end2:
_tile_overlayer_lowered:
.L_overlay_start_2:
0x96: {  	(tag) =	ssettag $0x2  }
0x97: {  	s0 =	rddreg [dreg:$0x0];
	s2 =	stileid.u32  }
0x98: {  	s1 =	rddreg [dreg:$0x1];
	p0 =	sne.s32 s2, $0x0  }
0x99: {  	s3 =	rddreg [dreg:$0x2];
	[bflag:$0x3] =	sbarrier.arrive $0xFFFF;
	s2 =	simm.s32 @!p0 $0x1C03  }
0x9a: {  	[timem:s3], [sflag:s2] =	dma.local @!p0 [hbm:s0], s1  }
0x9b: {  	s0 =	simm.s32 @!p0 $0x3  }
0x9c: {  	_ =	swait.ge @!p0 [sflag:s0], s1  }
0x9d: {  	s1 =	ssub.s32 @!p0 $0x0, s1;
	[sflag:s0] =	ssyncset.done @!p0 $0x0  }
0x9e: {  	[sflag:s0] =	ssyncadd.s32 @!p0 s1  }
0x9f: {  	[bflag:$0x3] =	sbarrier.arrive $0xFFFF  }
0xa0: {  	_ =	shalt  }

// kernel: kernel.15.cloned.1.call-start
scs
__scs_entry_jumppad:
0x0: {  	(pc) =	sbr.rel $0x88, $3  }
0x1: {  	(tag) =	ssettag $0x0;
	lr =	simm.s32 $0x1  }
0x2: {  	[smem:$0x3F99] =	sst lr;
	_ =	strace $0xD0000000  }
0x3: {  	_ = 	snop  }
0x4: {  	_ = 	snop  }
0x5: {  	_ = 	snop  }
0x6: {  	_ = 	snop  }
0x7: {  	_ = 	snop  }
__scs_overlays_trampoline_lowered:
0x8: {  	[smem:$0x3FA8] =	sst s0  }
0x9: {  	[smem:$0x3FA9] =	sst s1  }
0xa: {  	[smem:$0x3FAA] =	sst s2  }
0xb: {  	[smem:$0x3FAB] =	sst s3  }
0xc: {  	[smem:$0x3FAC] =	sst s4  }
0xd: {  	[smem:$0x3FAD] =	sst s5  }
0xe: {  	[smem:$0x3FAE] =	sst s6  }
0xf: {  	[smem:$0x3FAF] =	sst s7  }
0x10: {  	[smem:$0x3FB0] =	sst s8  }
0x11: {  	[smem:$0x3FB1] =	sst s9;
	s0 =	simm.s32 @!p0 $0x0  }
0x12: {  	s1 =	sld [smem:$0x3F97];
	s0 =	simm.s32 @p0 $0x1  }
0x13: {  	[smem:$0x3FB2] =	sst s0;
	s0 =	simm.s32 @!p1 $0x0  }
0x14: {  	s2 =	sld [smem:$0x3F96];
	s0 =	simm.s32 @p1 $0x1  }
0x15: {  	[smem:$0x3FB3] =	sst s0;
	s0 =	simm.s32 @!p2 $0x0  }
0x16: {  	s3 =	sld [smem:$0x3FDB];
	s0 =	simm.s32 @p2 $0x1  }
0x17: {  	s4 =	simm.s32 $0x1BF5;
	[smem:$0x3FB5] =	sst s0  }
0x18: {  	s0 =	sld [smem:$0x3F98];
	_ =	swait.ge [sflag:s4], $0x0  }
0x19: {  	s7 =	sld [smem:$0x3F99]  }
0x1a: {  	s8 =	sadd.s32 $0xFFFFE003, lr  }
0x1b: {  	s9 =	sadd.s32 $0xFFFFFEF7, lr;
	s5 =	simm.s32 $0xFFFFFFFF;
	p2 =	slt.u32 s8, $0xFFFFF086  }
0x1c: {  	p1 =	slt.u32 s9, $0xF7A;
	s5 =	simm.s32 @!p2 $0x0  }
0x1d: {  	s5 =	simm.s32 @p1 $0x1;
	p0 =	seq.s32 s7, s2  }
0x1e: {  	s7 =	smul.u32 @!p0 $0xF7A, s2;
	p2 =	seq.s32 @!p0 s5, $0x0  }
0x1f: {  	s9 =	smul.u32 $0xF7A, s1;
	s8 =	simm.s32 @!p0 $0x1BF5;
	p2 =	por !p2, p0  }
0x20: {  	[sflag:s8] =	ssyncset.s32 @!p0 $0xFFFFF086;
	s6 =	sadd.s32 @!p0 s3, s7;
	s7 =	simm.s32 @!p0 $0x108  }
0x21: {  	s3 =	sadd.s32 s3, s9;
	s6 =	sadd.s32 @!p0 $0x88, s6;
	s7 =	simm.s32 @p2 $0x1082  }
0x22: {  	[simem:s7], [sflag:s8] =	dma.local @!p0 [hbm:s6], $0xF7A  }
0x23: {  	s9 =	sor.u32 $0xD0000000, s2;
	s6 =	simm.s32 $0x108;
	_ =	swait.ge @!p0 [sflag:s8], $0x0  }
0x24: {  	s3 =	sadd.s32 $0x88, s3;
	s6 =	simm.s32 @!p1 $0x1082;
	[sflag:s4] =	ssyncset.s32 $0xFFFFF086  }
0x25: {  	[simem:s6], [sflag:s4] =	dma.local [hbm:s3], $0xF7A  }
0x26: {  	[smem:$0x3F99] =	sst s1;
	(tag) =	ssettag s2;
	_ =	strace s9  }
0x27: {  	s1 =	sld [smem:$0x3FA9]  }
0x28: {  	s2 =	sld [smem:$0x3FAA]  }
0x29: {  	s4 =	sld [smem:$0x3FAC]  }
0x2a: {  	p0 =	seq.s32 s5, $0x0;
	s5 =	sld [smem:$0x3FAD]  }
0x2b: {  	s6 =	sld [smem:$0x3FAE]  }
0x2c: {  	s7 =	sld [smem:$0x3FAF]  }
0x2d: {  	s3 =	simm.s32 $0x108;
	s8 =	sld [smem:$0x3FB0]  }
0x2e: {  	s3 =	simm.s32 @!p0 $0x1082;
	s9 =	sld [smem:$0x3FB1]  }
0x2f: {  	lr =	sadd.s32 s0, s3;
	s0 =	sld [smem:$0x3FA8]  }
0x30: {  	s3 =	sld [smem:$0x3FAB]  }
0x31: {  	[smem:$0x3FB4] =	sst s10  }
0x32: {  	s10 =	sld [smem:$0x3FB2];
	_ =	sdelay $0x3  }
0x33: {  	p0 =	seq.s32 s10, $0x1;
	s10 =	sld [smem:$0x3FB4];
	_ =	sdelay $0x3  }
0x34: {  	[smem:$0x3FB4] =	sst s10  }
0x35: {  	s10 =	sld [smem:$0x3FB3];
	_ =	sdelay $0x3  }
0x36: {  	p1 =	seq.s32 s10, $0x1;
	s10 =	sld [smem:$0x3FB4];
	_ =	sdelay $0x3  }
0x37: {  	[smem:$0x3FB4] =	sst s10  }
0x38: {  	s10 =	sld [smem:$0x3FB5]  }
0x39: {  	_ = 	snop;
	(pc) =	sbr.ind lr, $3  }
0x3a: {  	_ = 	snop  }
0x3b: {  	_ = 	snop  }
0x3c: {  	p2 =	seq.s32 s10, $0x1;
	s10 =	sld [smem:$0x3FB4]  }
0x3d: {  	_ =	shalt  }
0x3e: {  	_ =	shalt  }
0x3f: {  	_ =	shalt  }
0x40: {  	_ =	shalt  }
0x41: {  	_ =	shalt  }
0x42: {  	_ =	shalt  }
0x43: {  	_ =	shalt  }
0x44: {  	_ =	shalt  }
0x45: {  	_ =	shalt  }
0x46: {  	_ =	shalt  }
0x47: {  	_ =	shalt  }
0x48: {  	_ =	shalt  }
0x49: {  	_ =	shalt  }
0x4a: {  	_ =	shalt  }
0x4b: {  	_ =	shalt  }
0x4c: {  	_ =	shalt  }
0x4d: {  	_ =	shalt  }
0x4e: {  	_ =	shalt  }
0x4f: {  	_ =	shalt  }
0x50: {  	_ =	shalt  }
0x51: {  	_ =	shalt  }
0x52: {  	_ =	shalt  }
0x53: {  	_ =	shalt  }
0x54: {  	_ =	shalt  }
0x55: {  	_ =	shalt  }
0x56: {  	_ =	shalt  }
0x57: {  	_ =	shalt  }
0x58: {  	_ =	shalt  }
0x59: {  	_ =	shalt  }
0x5a: {  	_ =	shalt  }
0x5b: {  	_ =	shalt  }
0x5c: {  	_ =	shalt  }
0x5d: {  	_ =	shalt  }
0x5e: {  	_ =	shalt  }
0x5f: {  	_ =	shalt  }
0x60: {  	_ =	shalt  }
0x61: {  	_ =	shalt  }
0x62: {  	_ =	shalt  }
0x63: {  	_ =	shalt  }
0x64: {  	_ =	shalt  }
0x65: {  	_ =	shalt  }
0x66: {  	_ =	shalt  }
0x67: {  	_ =	shalt  }
0x68: {  	_ =	shalt  }
0x69: {  	_ =	shalt  }
0x6a: {  	_ =	shalt  }
0x6b: {  	_ =	shalt  }
0x6c: {  	_ =	shalt  }
0x6d: {  	_ =	shalt  }
0x6e: {  	_ =	shalt  }
0x6f: {  	_ =	shalt  }
0x70: {  	_ =	shalt  }
0x71: {  	_ =	shalt  }
0x72: {  	_ =	shalt  }
0x73: {  	_ =	shalt  }
0x74: {  	_ =	shalt  }
0x75: {  	_ =	shalt  }
0x76: {  	_ =	shalt  }
0x77: {  	_ =	shalt  }
0x78: {  	_ =	shalt  }
0x79: {  	_ =	shalt  }
0x7a: {  	_ =	shalt  }
0x7b: {  	_ =	shalt  }
0x7c: {  	_ =	shalt  }
0x7d: {  	_ =	shalt  }
0x7e: {  	_ =	shalt  }
0x7f: {  	_ =	shalt  }
0x80: {  	_ =	shalt  }
0x81: {  	_ =	shalt  }
0x82: {  	_ =	shalt  }
0x83: {  	_ =	shalt  }
0x84: {  	_ =	shalt  }
0x85: {  	_ =	shalt  }
0x86: {  	_ =	shalt  }
0x87: {  	_ =	shalt  }
.Lfunc_end0:
.L_simem_size_0:
called_computation.2_lowered:
.L_overlay_start_0:
0x88: {  	s2 =	sld [smem:$0x3FD9]  }
0x89: {  	s3 =	sld [smem:$0x3FFE];
	_ =	sdelay $0x1  }
0x8a: {  	s1 =	srdreg.scid  }
0x8b: {  	s0 =	sand.u32 $0x1, s1  }
0x8c: {  	s16 =	sshll.u32 s0, $0xA;
	s2 =	sadd.s32 s3, s2  }
0x8d: {  	s2 =	sadd.s32 s2, s16  }
0x8e: {  	[smem:$0x3FC0] =	sst s2  }
0x8f: {  	_ = 	snop  }
0x90: {  	(tm) =	ssettm $0x1  }
0x91: {  	s17 =	sld [smem:$0x3FFB];
	_ =	sdelay $0x3  }
0x92: {  	_ =	strace s17  }
0x93: {  	s2 =	sld [smem:$0x3FFC];
	_ =	sdelay $0x3  }
0x94: {  	_ =	strace s2  }
0x95: {  	s2 =	sld [smem:$0x3FFD];
	_ =	sdelay $0x3  }
0x96: {  	_ =	strace s2  }
0x97: {  	_ =	strace $0x8FFFFFFF  }
0x98: {  	s18 =	sld [smem:$0x3FDB];
	_ =	sdelay $0x1  }
0x99: {  	s19 =	simm.s32 $_scs_section_size  }
0x9a: {  	s4 =	simm.s32 $_size__tile_overlayer_lowered;
	s5 =	simm.s32 $_tile_overlayer_lowered  }
0x9b: {  	s22 =	simm.s32 $0x1BFF;
	s21 =	sshll.u32 s5, $0x1;
	s2 =	sadd.s32 s19, s18  }
0x9c: {  	s6 =	simm.s32 $0x0;
	s20 =	sshll.u32 s4, $0x1;
	s4 =	sadd.s32 s21, s2  }
0x9d: {  	[timem:s6], [sflag:s22] =	dma.local [hbm:s4], s20  }
0x9e: {  	_ =	swait.ge [sflag:s22], s20  }
0x9f: {  	s3 =	ssub.s32 $0x0, s20;
	[sflag:s22] =	ssyncset.done $0x0  }
0xa0: {  	[sflag:s22] =	ssyncadd.s32 s3;
	_ =	sdelay $0x1  }
0xa1: {  	s23 =	simm.s32 $0x1B8B  }
0xa2: {  	_ =	swait.ge [sflag:s23], $0x1  }
0xa3: {  	[sflag:s23] =	ssyncset.done $0x0  }
0xa4: {  	s25 =	simm.s32 $0x1B8E;
	s24 =	sld [smem:$0x3FFE];
	[sflag:s23] =	ssyncadd.s32 $0xFFFFFFFF  }
0xa5: {  	s26 =	simm.s32 $execute0_lowered;
	[smem:$0x3FD2] =	sst s25  }
0xa6: {  	s4 =	sshll.u32 s26, $0x1;
	_ =	strace $0x8000004C;
	[dreg:$0x1] =	wrdreg $0xFFFFFFFF  }
0xa7: {  	s28 =	simm.s32 $_size_execute0_lowered;
	s2 =	sadd.s32 s2, s4;
	[dreg:$0x0] =	wrdreg $0x0  }
0xa8: {  	s4 =	sshll.u32 s28, $0x1;
	[dreg:$0x2] =	wrdreg s2  }
0xa9: {  	[dreg:$0x3] =	wrdreg s4  }
0xaa: {  	[dreg:$0x4] =	wrdreg $0xC0  }
0xab: {  	_ =	task [dreg:s6], $0x5FFFF  }
0xac: {  	[dreg:$0x1] =	wrdreg $0xFFFFFFFF  }
0xad: {  	[dreg:$0x0] =	wrdreg $0x60  }
0xae: {  	[dreg:$0x2] =	wrdreg s24  }
0xaf: {  	[dreg:$0x3] =	wrdreg $0xA8000  }
0xb0: {  	[dreg:$0x4] =	wrdreg $0x9  }
0xb1: {  	_ =	task.clear_ibuf [dreg:s6], $0x5FFFF;
	_ =	strace $0x9000004C  }
0xb2: {  	s29 =	simm.s32 $0x9;
	_ =	strace $0x8000004E  }
0xb3: {  	_ =	swait.ge [sflag:s29], $0x1  }
0xb4: {  	[sflag:s29] =	ssyncadd.s32 $0xFFFFFFFF  }
0xb5: {  	_ =	strace $0x9000004E  }
0xb6: {  	_ =	sfence  }
0xb7: {  	s30 =	sld [smem:$0x0];
	_ =	sdelay $0x2  }
0xb8: {  	s31 =	sshll.u32 s1, $0xD;
	s1 =	sshrl.u32 s1, $0x2  }
0xb9: {  	s3 =	sand.u32 $0x4000, s31;
	s1 =	sadd.s32 s1, s30  }
0xba: {  	s0 =	sor.u32 s3, s0;
	s1 =	sshll.u32 s1, $0x11  }
0xbb: {  	s0 =	sor.u32 s1, s0  }
0xbc: {  	s0 =	sadd.s32 $0x8F2B, s0  }
0xbd: {  	[sflag:s0] =	ssyncadd.remote.s32 $0x1  }
0xbe: {  	_ =	sfence.sel $0xFFFF  }
0xbf: {  	[dreg:$0x0] =	wrdreg $0xFFFFFFFF;
	(pc) =	sbr.abs _section_cstart, $3  }
0xc0: {  	[dreg:$0x1] =	wrdreg $0xFFFFFFFF  }
0xc1: {  	_ =	task.clear_ibuf [dreg:s6], $0x2FFFF;
	_ =	strace $0x9FFFFFFF  }
0xc2: {  	(tm) =	ssettm $0x7FFFFFFF  }
0xc3: {  	_ =	shalt  }
tec
execute0_lowered:
.L_overlay_start_1:
0x0: {  	(tag) =	ssettag $0x1  }
0x1: {  	s5 =	rddreg [dreg:$0x0]  }
0x2: {  	s2 =	rddreg [dreg:$0x1]  }
0x3: {  	s0 =	rddreg [dreg:$0x2];
	s3 =	simm.s32 $0x0;
	s1 =	stileid.u32  }
0x4: {  	s4 =	srdreg.scid;
	s16 =	simm.s32 $0x80;
	s17 =	simm.s32 $0x2800  }
0x5: {  	s18 =	simm.s32 $0x6800;
	s19 =	simm.s32 $0x1;
	s20 =	simm.s32 $0x2  }
0x6: {  	s21 =	simm.s32 $0x2700;
	s22 =	simm.s32 $0x2780;
	s23 =	simm.s32 $0x0  }
0x7: {  	[smem:$0x7FF] =	sst s3;
	s6 =	smul.u32 $0x13C00, s1;
	s7 =	sand.u32 $0x1, s4  }
0x8: {  	s4 =	sadd.s32 $0x20200, s5;
	s9 =	sadd.s32 $0x16200, s5;
	s11 =	sadd.s32 $0x2400, s5  }
0x9: {  	s25 =	smul.u32 $0x4F000, s1;
	s12 =	sshll.u32 s1, $0x1;
	s30 =	sshll.u32 s1, $0x6  }
0xa: {  	_ =	strace $0x8000004D;
	s8 =	smul.u32 $0x13C000, s7;
	s26 =	ssub.s32 $0x2, s7  }
0xb: {  	s28 =	sor.u32 s7, s12;
	s10 =	sshrl.u32 s6, $0x3;
	s29 =	sshrl.u32 s26, $0x1  }
0xc: {  	s12 =	smul.u32 $0x2800, s28;
	s10 =	sadd.s32 s10, s5;
	s6 =	sadd.s32 s6, s8  }
0xd: {  	s8 =	sshrl.u32 s25, $0x2;
	s14 =	ssub.s32 s26, s29;
	s6 =	sshrl.u32 s6, $0x3  }
0xe: {  	s15 =	sadd.s32 s8, s2;
	s31 =	sshrl.u32 s12, $0x3;
	s12 =	smax.u32 s14, $0x1  }
0xf: {  	s14 =	simm.s32 $0x3;
	s13 =	sadd.s32 s6, s5;
	s5 =	sadd.s32 $0x47A00, s10  }
0x10: {  	s6 =	sor.u32 $0x1C03, s30;
	s7 =	sadd.s32 s9, s31;
	s10 =	sadd.s32 $0x280, s31  }
0x11: {  	s8 =	sadd.s32 s11, s31;
	s9 =	sadd.s32 s9, s10;
	s10 =	sadd.s32 s11, s10  }
0x12: {  	s11 =	sadd.s32 $0x6F200, s13;
	s13 =	sshrl.u32 s15, $0x3;
	s15 =	simm.s32 $0x1400  }
.LBB2_1:
0x13: {  	[spmem:s13], [sflag:s6] =	dma.local [hbm:s5], $0x2780  }
0x14: {  	_ =	swait.ge [sflag:s14], $0x2780  }
0x15: {  	[sflag:s14] =	ssyncset.done $0x0  }
0x16: {  	[sflag:s14] =	ssyncadd.s32 $0xFFFFD880  }
0x17: {  	[bflag:$0x0] =	sbarrier.arrive $0xFFFF  }
0x18: {  	[tilespmem:s3], [sflag:$0x3] =	stream.linear.gather [hbm4b:s7+s3], $0x1400, $0x38;
	[tilespmem:$0x1E400] =	vst v63  }
0x19: {  	_ =	swait.ge [sflag:s14], $0x1400  }
0x1a: {  	[sflag:s14] =	ssyncset.done $0x0  }
0x1b: {  	[sflag:s14] =	ssyncadd.s32 $0xFFFFEC00  }
0x1c: {  	[tilespmem:s15], [sflag:$0x3] =	stream.linear.gather [hbm4b:s8+s3], $0x1400, $0x38;
	[tilespmem:$0x1E400] =	vst v63  }
0x1d: {  	_ =	swait.ge [sflag:s14], $0x1400  }
0x1e: {  	[sflag:s14] =	ssyncset.done $0x0  }
0x1f: {  	[sflag:s14] =	ssyncadd.s32 $0xFFFFEC00  }
0x20: {  	[tilespmem:s17], [sflag:$0x1] =	stream.indirect.gather [hbm4b:s4+s16], $0x80, s3, s16, $0xb8;
	[tilespmem:$0x1E400] =	vst v63  }
0x21: {  	_ = 	snop  }
0x22: {  	[tilespmem:s18], [sflag:$0x2] =	stream.indirect.gather [hbm4b:s4+s16], $0x80, s16, s16, $0xb8;
	[tilespmem:$0x1E400] =	vst v63  }
0x23: {  	_ =	swait.ge [sflag:s19], $0x4000  }
0x24: {  	[sflag:s19] =	ssyncset.done $0x0  }
0x25: {  	s24 =	simm.s32 $0x1400;
	[sflag:s19] =	ssyncadd.s32 $0xFFFFC000  }
0x26: {  	[spmem:s2] =	stream.indirect.scatter.add.f32 [tilespmem:s17], [sflag:$0x3], $0x80, s24, s16, $0xb8;
	[tilespmem:$0x1E400] =	vst v63  }
0x27: {  	_ =	swait.ge [sflag:s14], $0x4000  }
0x28: {  	[sflag:s14] =	ssyncset.done $0x0  }
0x29: {  	s30 =	simm.s32 $0x100;
	[sflag:s14] =	ssyncadd.s32 $0xFFFFC000  }
0x2a: {  	[tilespmem:s17], [sflag:$0x1] =	stream.indirect.gather [hbm4b:s4+s16], $0x80, s30, s16, $0xb8;
	[tilespmem:$0x1E400] =	vst v63  }
0x2b: {  	_ =	swait.ge [sflag:s20], $0x4000  }
0x2c: {  	[sflag:s20] =	ssyncset.done $0x0  }
0x2d: {  	s31 =	simm.s32 $0x1480;
	[sflag:s20] =	ssyncadd.s32 $0xFFFFC000  }
0x2e: {  	[spmem:s2] =	stream.indirect.scatter.add.f32 [tilespmem:s18], [sflag:$0x3], $0x80, s31, s16, $0xb8;
	[tilespmem:$0x1E400] =	vst v63  }
0x2f: {  	_ =	swait.ge [sflag:s14], $0x4000  }
0x30: {  	[sflag:s14] =	ssyncset.done $0x0  }
0x31: {  	s25 =	simm.s32 $0x180;
	s24 =	simm.s32 $0x400;
	[sflag:s14] =	ssyncadd.s32 $0xFFFFC000  }
.LBB2_2:
0x32: {  	[tilespmem:s18], [sflag:$0x2] =	stream.indirect.gather [hbm4b:s4+s16], $0x80, s25, s16, $0xb8;
	[tilespmem:$0x1E400] =	vst v63  }
0x33: {  	s25 =	smov.u32 s24  }
0x34: {  	p0 =	sne.s32 s24, $0x4800;
	s24 =	sadd.s32 $0x400, s24;
	_ =	swait.ge [sflag:s19], $0x4000  }
0x35: {  	s25 =	sshra.s32 s25, $0x2;
	[sflag:s19] =	ssyncset.done $0x0  }
0x36: {  	s26 =	sadd.s32 $0x1400, s25;
	[sflag:s19] =	ssyncadd.s32 $0xFFFFC000  }
0x37: {  	[spmem:s2] =	stream.indirect.scatter.add.f32 [tilespmem:s17], [sflag:$0x3], $0x80, s26, s16, $0xb8;
	[tilespmem:$0x1E400] =	vst v63  }
0x38: {  	_ =	swait.ge [sflag:s14], $0x4000  }
0x39: {  	[sflag:s14] =	ssyncset.done $0x0  }
0x3a: {  	s26 =	sadd.s32 $0x100, s25;
	[sflag:s14] =	ssyncadd.s32 $0xFFFFC000  }
0x3b: {  	[tilespmem:s17], [sflag:$0x1] =	stream.indirect.gather [hbm4b:s4+s16], $0x80, s26, s16, $0xb8;
	[tilespmem:$0x1E400] =	vst v63  }
0x3c: {  	_ =	swait.ge [sflag:s20], $0x4000  }
0x3d: {  	[sflag:s20] =	ssyncset.done $0x0  }
.Ltmp0:
0x3e: {  	s26 =	sadd.s32 $0x1480, s25;
	[sflag:s20] =	ssyncadd.s32 $0xFFFFC000;
	(pc) =	sbr.rel @p0 .LBB2_2-.Ltmp0, $4  }
0x3f: {  	[spmem:s2] =	stream.indirect.scatter.add.f32 [tilespmem:s18], [sflag:$0x3], $0x80, s26, s16, $0xb8;
	[tilespmem:$0x1E400] =	vst v63  }
0x40: {  	_ =	swait.ge [sflag:s14], $0x4000  }
0x41: {  	[sflag:s14] =	ssyncset.done $0x0  }
0x42: {  	s25 =	sadd.s32 $0x180, s25;
	[sflag:s14] =	ssyncadd.s32 $0xFFFFC000  }
0x43: {  	[tilespmem:s18], [sflag:$0x2] =	stream.indirect.gather [hbm4b:s4+s16], $0x80, s25, s16, $0xb8;
	[tilespmem:$0x1E400] =	vst v63  }
0x44: {  	_ =	swait.ge [sflag:s19], $0x4000  }
0x45: {  	[sflag:s19] =	ssyncset.done $0x0  }
0x46: {  	[sflag:s19] =	ssyncadd.s32 $0xFFFFC000  }
0x47: {  	[spmem:s2] =	stream.indirect.scatter.add.f32 [tilespmem:s17], [sflag:$0x3], $0x80, s21, s16, $0xb8;
	[tilespmem:$0x1E400] =	vst v63  }
0x48: {  	_ =	swait.ge [sflag:s14], $0x4000  }
0x49: {  	[sflag:s14] =	ssyncset.done $0x0  }
0x4a: {  	[sflag:s14] =	ssyncadd.s32 $0xFFFFC000  }
0x4b: {  	_ =	swait.ge [sflag:s20], $0x4000  }
0x4c: {  	[sflag:s20] =	ssyncset.done $0x0  }
0x4d: {  	[sflag:s20] =	ssyncadd.s32 $0xFFFFC000  }
0x4e: {  	[spmem:s2] =	stream.indirect.scatter.add.f32 [tilespmem:s18], [sflag:$0x3], $0x80, s22, s16, $0xb8;
	[tilespmem:$0x1E400] =	vst v63  }
0x4f: {  	_ =	swait.ge [sflag:s14], $0x4000  }
0x50: {  	[sflag:s14] =	ssyncset.done $0x0  }
0x51: {  	s24 =	simm.s32 $0x0;
	[sflag:s14] =	ssyncadd.s32 $0xFFFFC000  }
0x52: {  	[tilespmem:s24], [sflag:$0x3] =	stream.linear.gather [hbm4b:s9+s24], $0x1400, $0x38;
	[tilespmem:$0x1E400] =	vst v63  }
0x53: {  	_ =	swait.ge [sflag:s14], $0x1400  }
0x54: {  	[sflag:s14] =	ssyncset.done $0x0  }
0x55: {  	[sflag:s14] =	ssyncadd.s32 $0xFFFFEC00  }
0x56: {  	[tilespmem:s15], [sflag:$0x3] =	stream.linear.gather [hbm4b:s10+s24], $0x1400, $0x38;
	[tilespmem:$0x1E400] =	vst v63  }
0x57: {  	_ =	swait.ge [sflag:s14], $0x1400  }
0x58: {  	[sflag:s14] =	ssyncset.done $0x0  }
0x59: {  	[sflag:s14] =	ssyncadd.s32 $0xFFFFEC00  }
0x5a: {  	[tilespmem:s17], [sflag:$0x1] =	stream.indirect.gather [hbm4b:s4+s16], $0x80, s24, s16, $0xb8;
	[tilespmem:$0x1E400] =	vst v63  }
0x5b: {  	_ = 	snop  }
0x5c: {  	[tilespmem:s18], [sflag:$0x2] =	stream.indirect.gather [hbm4b:s4+s16], $0x80, s16, s16, $0xb8;
	[tilespmem:$0x1E400] =	vst v63  }
0x5d: {  	_ =	swait.ge [sflag:s19], $0x4000  }
0x5e: {  	[sflag:s19] =	ssyncset.done $0x0  }
0x5f: {  	s29 =	simm.s32 $0x1400;
	[sflag:s19] =	ssyncadd.s32 $0xFFFFC000  }
0x60: {  	[spmem:s2] =	stream.indirect.scatter.add.f32 [tilespmem:s17], [sflag:$0x3], $0x80, s29, s16, $0xb8;
	[tilespmem:$0x1E400] =	vst v63  }
0x61: {  	_ =	swait.ge [sflag:s14], $0x4000  }
0x62: {  	[sflag:s14] =	ssyncset.done $0x0  }
0x63: {  	s30 =	simm.s32 $0x100;
	[sflag:s14] =	ssyncadd.s32 $0xFFFFC000  }
0x64: {  	[tilespmem:s17], [sflag:$0x1] =	stream.indirect.gather [hbm4b:s4+s16], $0x80, s30, s16, $0xb8;
	[tilespmem:$0x1E400] =	vst v63  }
0x65: {  	_ =	swait.ge [sflag:s20], $0x4000  }
0x66: {  	[sflag:s20] =	ssyncset.done $0x0  }
0x67: {  	s31 =	simm.s32 $0x1480;
	[sflag:s20] =	ssyncadd.s32 $0xFFFFC000  }
0x68: {  	[spmem:s2] =	stream.indirect.scatter.add.f32 [tilespmem:s18], [sflag:$0x3], $0x80, s31, s16, $0xb8;
	[tilespmem:$0x1E400] =	vst v63  }
0x69: {  	_ =	swait.ge [sflag:s14], $0x4000  }
0x6a: {  	[sflag:s14] =	ssyncset.done $0x0  }
0x6b: {  	s25 =	simm.s32 $0x180;
	s24 =	simm.s32 $0x400;
	[sflag:s14] =	ssyncadd.s32 $0xFFFFC000  }
.LBB2_4:
0x6c: {  	[tilespmem:s18], [sflag:$0x2] =	stream.indirect.gather [hbm4b:s4+s16], $0x80, s25, s16, $0xb8;
	[tilespmem:$0x1E400] =	vst v63  }
0x6d: {  	s25 =	smov.u32 s24  }
0x6e: {  	p0 =	sne.s32 s24, $0x4800;
	s24 =	sadd.s32 $0x400, s24;
	_ =	swait.ge [sflag:s19], $0x4000  }
0x6f: {  	s25 =	sshra.s32 s25, $0x2;
	[sflag:s19] =	ssyncset.done $0x0  }
0x70: {  	s26 =	sadd.s32 $0x1400, s25;
	[sflag:s19] =	ssyncadd.s32 $0xFFFFC000  }
0x71: {  	[spmem:s2] =	stream.indirect.scatter.add.f32 [tilespmem:s17], [sflag:$0x3], $0x80, s26, s16, $0xb8;
	[tilespmem:$0x1E400] =	vst v63  }
0x72: {  	_ =	swait.ge [sflag:s14], $0x4000  }
0x73: {  	[sflag:s14] =	ssyncset.done $0x0  }
0x74: {  	s26 =	sadd.s32 $0x100, s25;
	[sflag:s14] =	ssyncadd.s32 $0xFFFFC000  }
0x75: {  	[tilespmem:s17], [sflag:$0x1] =	stream.indirect.gather [hbm4b:s4+s16], $0x80, s26, s16, $0xb8;
	[tilespmem:$0x1E400] =	vst v63  }
0x76: {  	_ =	swait.ge [sflag:s20], $0x4000  }
0x77: {  	[sflag:s20] =	ssyncset.done $0x0  }
.Ltmp1:
0x78: {  	s26 =	sadd.s32 $0x1480, s25;
	[sflag:s20] =	ssyncadd.s32 $0xFFFFC000;
	(pc) =	sbr.rel @p0 .LBB2_4-.Ltmp1, $4  }
0x79: {  	[spmem:s2] =	stream.indirect.scatter.add.f32 [tilespmem:s18], [sflag:$0x3], $0x80, s26, s16, $0xb8;
	[tilespmem:$0x1E400] =	vst v63  }
0x7a: {  	_ =	swait.ge [sflag:s14], $0x4000  }
0x7b: {  	[sflag:s14] =	ssyncset.done $0x0  }
0x7c: {  	s25 =	sadd.s32 $0x180, s25;
	[sflag:s14] =	ssyncadd.s32 $0xFFFFC000  }
0x7d: {  	[tilespmem:s18], [sflag:$0x2] =	stream.indirect.gather [hbm4b:s4+s16], $0x80, s25, s16, $0xb8;
	[tilespmem:$0x1E400] =	vst v63  }
0x7e: {  	_ =	swait.ge [sflag:s19], $0x4000  }
0x7f: {  	[sflag:s19] =	ssyncset.done $0x0  }
0x80: {  	[sflag:s19] =	ssyncadd.s32 $0xFFFFC000  }
0x81: {  	[spmem:s2] =	stream.indirect.scatter.add.f32 [tilespmem:s17], [sflag:$0x3], $0x80, s21, s16, $0xb8;
	[tilespmem:$0x1E400] =	vst v63  }
0x82: {  	_ =	swait.ge [sflag:s14], $0x4000  }
0x83: {  	[sflag:s14] =	ssyncset.done $0x0  }
0x84: {  	[sflag:s14] =	ssyncadd.s32 $0xFFFFC000  }
0x85: {  	_ =	swait.ge [sflag:s20], $0x4000  }
0x86: {  	[sflag:s20] =	ssyncset.done $0x0  }
0x87: {  	[sflag:s20] =	ssyncadd.s32 $0xFFFFC000  }
0x88: {  	[spmem:s2] =	stream.indirect.scatter.add.f32 [tilespmem:s18], [sflag:$0x3], $0x80, s22, s16, $0xb8;
	[tilespmem:$0x1E400] =	vst v63  }
0x89: {  	_ =	swait.ge [sflag:s14], $0x4000  }
0x8a: {  	s23 =	sadd.s32 $0x1, s23;
	[sflag:s14] =	ssyncset.done $0x0  }
0x8b: {  	p0 =	sne.s32 s23, s12;
	[sflag:s14] =	ssyncadd.s32 $0xFFFFC000  }
.Ltmp2:
0x8c: {  	[bflag:$0x0] =	sbarrier.arrive $0xFFFF;
	(pc) =	sbr.rel @p0 .LBB2_1-.Ltmp2, $4  }
0x8d: {  	[hbm:s11], [sflag:s6] =	dma.local [spmem:s13], $0x2780  }
0x8e: {  	_ =	swait.ge [sflag:s14], $0x2780  }
0x8f: {  	[sflag:s14] =	ssyncset.done $0x0  }
0x90: {  	[sflag:s14] =	ssyncadd.s32 $0xFFFFD880  }
0x91: {  	_ =	sfence.sel $0x180000  }
0x92: {  	[bflag:$0x0] =	sbarrier.arrive $0xFFFF  }
0x93: {  	p0 =	sne.s32 s1, $0x0;
	_ =	strace $0x9000004D  }
0x94: {  	s0 =	sadd.s32 @!p0 $0x100000, s0;
	[bflag:$0x2] =	sbarrier.arrive $0xFFFF  }
0x95: {  	[sflag:s0] =	ssyncadd.tile.s32 @!p0 $0x1;
	_ =	shalt  }
.Lfunc_end2:
_tile_overlayer_lowered:
.L_overlay_start_2:
0x96: {  	(tag) =	ssettag $0x2  }
0x97: {  	s0 =	rddreg [dreg:$0x0];
	s2 =	stileid.u32  }
0x98: {  	s1 =	rddreg [dreg:$0x1];
	p0 =	sne.s32 s2, $0x0  }
0x99: {  	s3 =	rddreg [dreg:$0x2];
	[bflag:$0x3] =	sbarrier.arrive $0xFFFF;
	s2 =	simm.s32 @!p0 $0x1C03  }
0x9a: {  	[timem:s3], [sflag:s2] =	dma.local @!p0 [hbm:s0], s1  }
0x9b: {  	s0 =	simm.s32 @!p0 $0x3  }
0x9c: {  	_ =	swait.ge @!p0 [sflag:s0], s1  }
0x9d: {  	s1 =	ssub.s32 @!p0 $0x0, s1;
	[sflag:s0] =	ssyncset.done @!p0 $0x0  }
0x9e: {  	[sflag:s0] =	ssyncadd.s32 @!p0 s1  }
0x9f: {  	[bflag:$0x3] =	sbarrier.arrive $0xFFFF  }
0xa0: {  	_ =	shalt  }

// kernel: kernel.9.cloned.1.call-start
scs
__scs_entry_jumppad:
0x0: {  	(pc) =	sbr.rel $0x88, $3  }
0x1: {  	(tag) =	ssettag $0x0;
	lr =	simm.s32 $0x1  }
0x2: {  	[smem:$0x3F99] =	sst lr;
	_ =	strace $0xD0000000  }
0x3: {  	_ = 	snop  }
0x4: {  	_ = 	snop  }
0x5: {  	_ = 	snop  }
0x6: {  	_ = 	snop  }
0x7: {  	_ = 	snop  }
__scs_overlays_trampoline_lowered:
0x8: {  	[smem:$0x3FA8] =	sst s0  }
0x9: {  	[smem:$0x3FA9] =	sst s1  }
0xa: {  	[smem:$0x3FAA] =	sst s2  }
0xb: {  	[smem:$0x3FAB] =	sst s3  }
0xc: {  	[smem:$0x3FAC] =	sst s4  }
0xd: {  	[smem:$0x3FAD] =	sst s5  }
0xe: {  	[smem:$0x3FAE] =	sst s6  }
0xf: {  	[smem:$0x3FAF] =	sst s7  }
0x10: {  	[smem:$0x3FB0] =	sst s8  }
0x11: {  	[smem:$0x3FB1] =	sst s9;
	s0 =	simm.s32 @!p0 $0x0  }
0x12: {  	s1 =	sld [smem:$0x3F97];
	s0 =	simm.s32 @p0 $0x1  }
0x13: {  	[smem:$0x3FB2] =	sst s0;
	s0 =	simm.s32 @!p1 $0x0  }
0x14: {  	s2 =	sld [smem:$0x3F96];
	s0 =	simm.s32 @p1 $0x1  }
0x15: {  	[smem:$0x3FB3] =	sst s0;
	s0 =	simm.s32 @!p2 $0x0  }
0x16: {  	s3 =	sld [smem:$0x3FDB];
	s0 =	simm.s32 @p2 $0x1  }
0x17: {  	s4 =	simm.s32 $0x1BF5;
	[smem:$0x3FB5] =	sst s0  }
0x18: {  	s0 =	sld [smem:$0x3F98];
	_ =	swait.ge [sflag:s4], $0x0  }
0x19: {  	s7 =	sld [smem:$0x3F99]  }
0x1a: {  	s8 =	sadd.s32 $0xFFFFE003, lr  }
0x1b: {  	s9 =	sadd.s32 $0xFFFFFEF7, lr;
	s5 =	simm.s32 $0xFFFFFFFF;
	p2 =	slt.u32 s8, $0xFFFFF086  }
0x1c: {  	p1 =	slt.u32 s9, $0xF7A;
	s5 =	simm.s32 @!p2 $0x0  }
0x1d: {  	s5 =	simm.s32 @p1 $0x1;
	p0 =	seq.s32 s7, s2  }
0x1e: {  	s7 =	smul.u32 @!p0 $0xF7A, s2;
	p2 =	seq.s32 @!p0 s5, $0x0  }
0x1f: {  	s9 =	smul.u32 $0xF7A, s1;
	s8 =	simm.s32 @!p0 $0x1BF5;
	p2 =	por !p2, p0  }
0x20: {  	[sflag:s8] =	ssyncset.s32 @!p0 $0xFFFFF086;
	s6 =	sadd.s32 @!p0 s3, s7;
	s7 =	simm.s32 @!p0 $0x108  }
0x21: {  	s3 =	sadd.s32 s3, s9;
	s6 =	sadd.s32 @!p0 $0x88, s6;
	s7 =	simm.s32 @p2 $0x1082  }
0x22: {  	[simem:s7], [sflag:s8] =	dma.local @!p0 [hbm:s6], $0xF7A  }
0x23: {  	s9 =	sor.u32 $0xD0000000, s2;
	s6 =	simm.s32 $0x108;
	_ =	swait.ge @!p0 [sflag:s8], $0x0  }
0x24: {  	s3 =	sadd.s32 $0x88, s3;
	s6 =	simm.s32 @!p1 $0x1082;
	[sflag:s4] =	ssyncset.s32 $0xFFFFF086  }
0x25: {  	[simem:s6], [sflag:s4] =	dma.local [hbm:s3], $0xF7A  }
0x26: {  	[smem:$0x3F99] =	sst s1;
	(tag) =	ssettag s2;
	_ =	strace s9  }
0x27: {  	s1 =	sld [smem:$0x3FA9]  }
0x28: {  	s2 =	sld [smem:$0x3FAA]  }
0x29: {  	s4 =	sld [smem:$0x3FAC]  }
0x2a: {  	p0 =	seq.s32 s5, $0x0;
	s5 =	sld [smem:$0x3FAD]  }
0x2b: {  	s6 =	sld [smem:$0x3FAE]  }
0x2c: {  	s7 =	sld [smem:$0x3FAF]  }
0x2d: {  	s3 =	simm.s32 $0x108;
	s8 =	sld [smem:$0x3FB0]  }
0x2e: {  	s3 =	simm.s32 @!p0 $0x1082;
	s9 =	sld [smem:$0x3FB1]  }
0x2f: {  	lr =	sadd.s32 s0, s3;
	s0 =	sld [smem:$0x3FA8]  }
0x30: {  	s3 =	sld [smem:$0x3FAB]  }
0x31: {  	[smem:$0x3FB4] =	sst s10  }
0x32: {  	s10 =	sld [smem:$0x3FB2];
	_ =	sdelay $0x3  }
0x33: {  	p0 =	seq.s32 s10, $0x1;
	s10 =	sld [smem:$0x3FB4];
	_ =	sdelay $0x3  }
0x34: {  	[smem:$0x3FB4] =	sst s10  }
0x35: {  	s10 =	sld [smem:$0x3FB3];
	_ =	sdelay $0x3  }
0x36: {  	p1 =	seq.s32 s10, $0x1;
	s10 =	sld [smem:$0x3FB4];
	_ =	sdelay $0x3  }
0x37: {  	[smem:$0x3FB4] =	sst s10  }
0x38: {  	s10 =	sld [smem:$0x3FB5]  }
0x39: {  	_ = 	snop;
	(pc) =	sbr.ind lr, $3  }
0x3a: {  	_ = 	snop  }
0x3b: {  	_ = 	snop  }
0x3c: {  	p2 =	seq.s32 s10, $0x1;
	s10 =	sld [smem:$0x3FB4]  }
0x3d: {  	_ =	shalt  }
0x3e: {  	_ =	shalt  }
0x3f: {  	_ =	shalt  }
0x40: {  	_ =	shalt  }
0x41: {  	_ =	shalt  }
0x42: {  	_ =	shalt  }
0x43: {  	_ =	shalt  }
0x44: {  	_ =	shalt  }
0x45: {  	_ =	shalt  }
0x46: {  	_ =	shalt  }
0x47: {  	_ =	shalt  }
0x48: {  	_ =	shalt  }
0x49: {  	_ =	shalt  }
0x4a: {  	_ =	shalt  }
0x4b: {  	_ =	shalt  }
0x4c: {  	_ =	shalt  }
0x4d: {  	_ =	shalt  }
0x4e: {  	_ =	shalt  }
0x4f: {  	_ =	shalt  }
0x50: {  	_ =	shalt  }
0x51: {  	_ =	shalt  }
0x52: {  	_ =	shalt  }
0x53: {  	_ =	shalt  }
0x54: {  	_ =	shalt  }
0x55: {  	_ =	shalt  }
0x56: {  	_ =	shalt  }
0x57: {  	_ =	shalt  }
0x58: {  	_ =	shalt  }
0x59: {  	_ =	shalt  }
0x5a: {  	_ =	shalt  }
0x5b: {  	_ =	shalt  }
0x5c: {  	_ =	shalt  }
0x5d: {  	_ =	shalt  }
0x5e: {  	_ =	shalt  }
0x5f: {  	_ =	shalt  }
0x60: {  	_ =	shalt  }
0x61: {  	_ =	shalt  }
0x62: {  	_ =	shalt  }
0x63: {  	_ =	shalt  }
0x64: {  	_ =	shalt  }
0x65: {  	_ =	shalt  }
0x66: {  	_ =	shalt  }
0x67: {  	_ =	shalt  }
0x68: {  	_ =	shalt  }
0x69: {  	_ =	shalt  }
0x6a: {  	_ =	shalt  }
0x6b: {  	_ =	shalt  }
0x6c: {  	_ =	shalt  }
0x6d: {  	_ =	shalt  }
0x6e: {  	_ =	shalt  }
0x6f: {  	_ =	shalt  }
0x70: {  	_ =	shalt  }
0x71: {  	_ =	shalt  }
0x72: {  	_ =	shalt  }
0x73: {  	_ =	shalt  }
0x74: {  	_ =	shalt  }
0x75: {  	_ =	shalt  }
0x76: {  	_ =	shalt  }
0x77: {  	_ =	shalt  }
0x78: {  	_ =	shalt  }
0x79: {  	_ =	shalt  }
0x7a: {  	_ =	shalt  }
0x7b: {  	_ =	shalt  }
0x7c: {  	_ =	shalt  }
0x7d: {  	_ =	shalt  }
0x7e: {  	_ =	shalt  }
0x7f: {  	_ =	shalt  }
0x80: {  	_ =	shalt  }
0x81: {  	_ =	shalt  }
0x82: {  	_ =	shalt  }
0x83: {  	_ =	shalt  }
0x84: {  	_ =	shalt  }
0x85: {  	_ =	shalt  }
0x86: {  	_ =	shalt  }
0x87: {  	_ =	shalt  }
.Lfunc_end0:
.L_simem_size_0:
called_computation_lowered:
.L_overlay_start_0:
0x88: {  	s2 =	sld [smem:$0x3FD9]  }
0x89: {  	s3 =	sld [smem:$0x3FFE];
	_ =	sdelay $0x1  }
0x8a: {  	s1 =	srdreg.scid  }
0x8b: {  	s0 =	sand.u32 $0x1, s1  }
0x8c: {  	s17 =	sshll.u32 s0, $0xA;
	s2 =	sadd.s32 s3, s2  }
0x8d: {  	s2 =	sadd.s32 s2, s17  }
0x8e: {  	[smem:$0x3FC0] =	sst s2  }
0x8f: {  	_ = 	snop  }
0x90: {  	s2 =	sld [smem:$0x3FD0];
	(tm) =	ssettm $0x1  }
0x91: {  	s18 =	sld [smem:$0x3FFB];
	_ =	sdelay $0x3  }
0x92: {  	_ =	strace s18  }
0x93: {  	s3 =	sld [smem:$0x3FFC];
	_ =	sdelay $0x3  }
0x94: {  	_ =	strace s3  }
0x95: {  	s3 =	sld [smem:$0x3FFD];
	_ =	sdelay $0x3  }
0x96: {  	_ =	strace s3  }
0x97: {  	_ =	strace $0x8FFFFFFF  }
0x98: {  	s19 =	sld [smem:$0x3FDB];
	_ =	sdelay $0x1  }
0x99: {  	s4 =	simm.s32 $_scs_section_size  }
0x9a: {  	s5 =	simm.s32 $_size__tile_overlayer_lowered;
	s6 =	simm.s32 $_tile_overlayer_lowered  }
0x9b: {  	s22 =	simm.s32 $0x1BFF;
	s21 =	sshll.u32 s6, $0x1;
	s3 =	sadd.s32 s4, s19  }
0x9c: {  	s7 =	simm.s32 $0x0;
	s20 =	sshll.u32 s5, $0x1;
	s5 =	sadd.s32 s21, s3  }
0x9d: {  	[timem:s7], [sflag:s22] =	dma.local [hbm:s5], s20  }
0x9e: {  	_ =	swait.ge [sflag:s22], s20  }
0x9f: {  	s4 =	ssub.s32 $0x0, s20;
	[sflag:s22] =	ssyncset.done $0x0  }
0xa0: {  	[sflag:s22] =	ssyncadd.s32 s4;
	_ =	sdelay $0x1  }
0xa1: {  	s23 =	simm.s32 $0x1B8B  }
0xa2: {  	_ =	swait.ge [sflag:s23], $0x1  }
0xa3: {  	[sflag:s23] =	ssyncset.done $0x0  }
0xa4: {  	s25 =	simm.s32 $0x1B8E;
	s24 =	sld [smem:$0x3FFE];
	[sflag:s23] =	ssyncadd.s32 $0xFFFFFFFF  }
0xa5: {  	s26 =	simm.s32 $execute0_lowered;
	[smem:$0x3FD2] =	sst s25  }
0xa6: {  	s5 =	sshll.u32 s26, $0x1;
	_ =	strace $0x80000046;
	[dreg:$0x1] =	wrdreg $0xFFFFFFFF  }
0xa7: {  	s28 =	simm.s32 $_size_execute0_lowered;
	s3 =	sadd.s32 s3, s5;
	[dreg:$0x0] =	wrdreg $0x0  }
0xa8: {  	s5 =	sshll.u32 s28, $0x1;
	[dreg:$0x2] =	wrdreg s3  }
0xa9: {  	[dreg:$0x3] =	wrdreg s5  }
0xaa: {  	[dreg:$0x4] =	wrdreg $0xC0  }
0xab: {  	_ =	task [dreg:s7], $0x5FFFF  }
0xac: {  	[dreg:$0x1] =	wrdreg $0xFFFFFFFF  }
0xad: {  	[dreg:$0x0] =	wrdreg $0x60  }
0xae: {  	[dreg:$0x2] =	wrdreg s2  }
0xaf: {  	[dreg:$0x3] =	wrdreg s24  }
0xb0: {  	[dreg:$0x4] =	wrdreg $0x9  }
0xb1: {  	_ =	task.clear_ibuf [dreg:s7], $0x5FFFF;
	_ =	strace $0x90000046  }
0xb2: {  	s29 =	simm.s32 $0x9;
	_ =	strace $0x80000048  }
0xb3: {  	_ =	swait.ge [sflag:s29], $0x1  }
0xb4: {  	[sflag:s29] =	ssyncadd.s32 $0xFFFFFFFF  }
0xb5: {  	_ =	strace $0x90000048  }
0xb6: {  	_ =	sfence  }
0xb7: {  	s30 =	sld [smem:$0x0];
	_ =	sdelay $0x2  }
0xb8: {  	s31 =	sshll.u32 s1, $0xD;
	s1 =	sshrl.u32 s1, $0x2  }
0xb9: {  	s3 =	sand.u32 $0x4000, s31;
	s1 =	sadd.s32 s1, s30  }
0xba: {  	s0 =	sor.u32 s3, s0;
	s1 =	sshll.u32 s1, $0x11  }
0xbb: {  	s0 =	sor.u32 s1, s0  }
0xbc: {  	s0 =	sadd.s32 $0x8F2B, s0  }
0xbd: {  	[sflag:s0] =	ssyncadd.remote.s32 $0x1  }
0xbe: {  	_ =	sfence.sel $0xFFFF  }
0xbf: {  	[dreg:$0x0] =	wrdreg $0xFFFFFFFF;
	(pc) =	sbr.abs _section_cstart, $3  }
0xc0: {  	[dreg:$0x1] =	wrdreg $0xFFFFFFFF  }
0xc1: {  	_ =	task.clear_ibuf [dreg:s7], $0x2FFFF;
	_ =	strace $0x9FFFFFFF  }
0xc2: {  	(tm) =	ssettm $0x7FFFFFFF  }
0xc3: {  	_ =	shalt  }
tec
execute0_lowered:
.L_overlay_start_1:
0x0: {  	(tag) =	ssettag $0x1  }
0x1: {  	s3 =	rddreg [dreg:$0x0]  }
0x2: {  	s4 =	rddreg [dreg:$0x1]  }
0x3: {  	s0 =	rddreg [dreg:$0x2];
	s2 =	simm.s32 $0x0;
	s5 =	srdreg.scid  }
0x4: {  	s1 =	stileid.u32;
	s10 =	simm.s32 $0x0;
	s5 =	sand.u32 $0x1, s5  }
0x5: {  	s6 =	sshrl.u32 s1, $0x2;
	s7 =	sshll.u32 s1, $0x8;
	[smem:$0x7FF] =	sst s2  }
0x6: {  	s8 =	sshll.u32 s5, $0x7;
	s7 =	sand.u32 $0x300, s7;
	s9 =	smul.u32 $0x13C00, s6  }
0x7: {  	s6 =	smul.u32 $0x14000, s6;
	s5 =	ssub.s32 $0x2, s5;
	s7 =	sor.u32 s8, s7  }
0x8: {  	_ =	strace $0x80000047;
	s31 =	sshrl.u32 s5, $0x1;
	s8 =	sor.u32 s9, s7  }
0x9: {  	s6 =	sor.u32 s6, s7;
	s5 =	ssub.s32 s5, s31;
	s7 =	simm.s32 $0x400  }
0xa: {  	s9 =	simm.s32 $0x2800;
	s8 =	sshrl.u32 s8, $0x3;
	s6 =	sshrl.u32 s6, $0x3  }
0xb: {  	s5 =	smax.u32 s5, $0x1;
	s4 =	sadd.s32 s8, s4;
	s3 =	sadd.s32 s3, s6  }
0xc: {  	v0 =	vimm.f32 $0.0e+00;
	v1 =	vimm.f32 $1.000000000e+00;
	s6 =	simm.s32 $0x80;
	s8 =	simm.s32 $0x1;
	s4 =	sadd.s32 $0xC400, s4  }
.LBB2_1:
0xd: {  	[tilespmem:s2], [sflag:$0x1] =	stream.strided.gather [hbm4b:s3+s6], $0x2800, s7, s6, $0x38;
	[tilespmem:$0x4F80] =	vst v63  }
0xe: {  	_ =	swait.ge [sflag:s8], $0x2800  }
0xf: {  	[sflag:s8] =	ssyncset.done $0x0  }
0x10: {  	s11 =	simm.s32 $0x0;
	[sflag:s8] =	ssyncadd.s32 $0xFFFFD800  }
.LBB2_2:
0x11: {  	p0 =	sne.s32 s11, $0x9DC0  }
.Ltmp0:
0x12: {  	_ = 	snop;
	(pc) =	sbr.rel @p0 .LBB2_2-.Ltmp0, $3  }
0x13: {  	_ =	sdelay $0x1  }
0x14: {  	s12 =	sshra.s32 s11, $0x2  }
0x15: {  	s11 =	sadd.s32 $0x40, s11;
	[tilespmem:s12+$0x2800] =	vst v0  }
0x16: {  	s12 =	simm.s32 $0x0;
	s11 =	simm.s32 $0x40  }
.LBB2_4:
0x17: {  	p0 =	sne.s32 s11, $0x9FC0;
	v2 =	vld [tilespmem:s12+$0x0];
	_ =	sdelay $0x3  }
.Ltmp1:
0x18: {  	(pc) =	sbr.rel @p0 .LBB2_4-.Ltmp1, $2  }
0x19: {  	_ =	sdelay $0x2  }
0x1a: {  	s12 =	sshra.s32 s11, $0x2;
	s11 =	sadd.s32 $0x40, s11;
	[tilespmem:v2+s9+$0x0] =	vst.idx.add.f32.msk $0xffff, v1  }
0x1b: {  	v2 =	vld [tilespmem:s12+$0x0];
	_ =	sdelay $0x5  }
0x1c: {  	s10 =	sadd.s32 $0x1, s10  }
0x1d: {  	p0 =	sne.s32 s10, s5  }
.Ltmp2:
0x1e: {  	[tilespmem:v2+s9+$0x0] =	vst.idx.add.f32.msk $0xffff, v1;
	(pc) =	sbr.rel @p0 .LBB2_1-.Ltmp2, $4  }
0x1f: {  	[hbm4b:s4+s6] =	stream.strided.scatter [tilespmem:s9], [sflag:$0x1], $0x2780, s7, s6, $0x38;
	[tilespmem:$0x4F80] =	vst v63  }
0x20: {  	_ =	swait.ge [sflag:s8], $0x2780  }
0x21: {  	[sflag:s8] =	ssyncset.done $0x0  }
0x22: {  	[sflag:s8] =	ssyncadd.s32 $0xFFFFD880  }
0x23: {  	_ =	sfence.sel $0x180000  }
0x24: {  	[bflag:$0x0] =	sbarrier.arrive $0xFFFF  }
0x25: {  	p0 =	sne.s32 s1, $0x0;
	_ =	strace $0x90000047  }
0x26: {  	s0 =	sadd.s32 @!p0 $0x100000, s0;
	[bflag:$0x2] =	sbarrier.arrive $0xFFFF  }
0x27: {  	[sflag:s0] =	ssyncadd.tile.s32 @!p0 $0x1;
	_ =	shalt  }
.Lfunc_end2:
_tile_overlayer_lowered:
.L_overlay_start_2:
0x28: {  	(tag) =	ssettag $0x2  }
0x29: {  	s0 =	rddreg [dreg:$0x0];
	s2 =	stileid.u32  }
0x2a: {  	s1 =	rddreg [dreg:$0x1];
	p0 =	sne.s32 s2, $0x0  }
0x2b: {  	s3 =	rddreg [dreg:$0x2];
	[bflag:$0x3] =	sbarrier.arrive $0xFFFF;
	s2 =	simm.s32 @!p0 $0x1C01  }
0x2c: {  	[timem:s3], [sflag:s2] =	dma.local @!p0 [hbm:s0], s1  }
0x2d: {  	s0 =	simm.s32 @!p0 $0x1  }
0x2e: {  	_ =	swait.ge @!p0 [sflag:s0], s1  }
0x2f: {  	s1 =	ssub.s32 @!p0 $0x0, s1;
	[sflag:s0] =	ssyncset.done @!p0 $0x0  }
0x30: {  	[sflag:s0] =	ssyncadd.s32 @!p0 s1  }
0x31: {  	[bflag:$0x3] =	sbarrier.arrive $0xFFFF  }
0x32: {  	_ =	shalt  }

</sc_bundles>
